<compile_context>
chip_gen: v7x
topology: tpu7x:2x2x1
jax: 0.10.2.dev20260603
libtpu: 0.0.44.dev20260713+nightly
codegen_flags: <defaults>
</compile_context>

<pallas_src>
import functools

import jax
import jax.numpy as jnp
from jax import lax
from jax.experimental import pallas as pl
from jax.experimental.pallas import tpu as pltpu
from jax.experimental.pallas import tpu_sc as plsc

NUM_WORKERS = 32
LANES = 16


def _make_sc_embed(batch, num_cards, out_dim, num_keys):
    assert batch % (NUM_WORKERS * LANES) == 0
    per_worker = batch // NUM_WORKERS
    mesh = plsc.VectorSubcoreMesh(core_axis_name="c", subcore_axis_name="s")

    f_tiles = out_dim // 8
    groups = batch // 128
    tile_words = 8 * 128
    run = (per_worker // 128) * tile_words

    @functools.partial(
        pl.kernel,
        mesh=mesh,
        compiler_params=pltpu.CompilerParams(
            use_tc_tiling_on_sc=False, needs_layout_passes=False),
        out_type=jax.ShapeDtypeStruct(
            (num_cards, f_tiles, groups * tile_words), jnp.float32),
        scratch_types=[
            pltpu.VMEM((num_keys * out_dim,), jnp.float32),
            pltpu.VMEM((num_cards, per_worker), jnp.int32),
            [pltpu.VMEM((f_tiles, run), jnp.float32)] * 2,
            [pltpu.SemaphoreType.DMA] * 2,
        ],
    )
    def sc_embed(keys_hbm, table_hbm, out_hbm, tab_v, keys_v, block_v, sem_s):
        wid = lax.axis_index("s") * 2 + lax.axis_index("c")
        b0 = wid * per_worker

        pltpu.sync_copy(table_hbm, tab_v)
        pltpu.sync_copy(keys_hbm.at[:, pl.ds(b0, per_worker)], keys_v)

        def do_card(c, bb, first):
            @pl.when(jnp.logical_not(first))
            def _():
                pltpu.make_async_copy(
                    block_v[bb],
                    out_hbm.at[c, :, pl.ds(wid * run, run)],
                    sem_s[bb],
                ).wait()

            @plsc.parallel_loop(0, per_worker // LANES, unroll=2)
            def _fill(i):
                kvec = keys_v[c, pl.ds(i * LANES, LANES)]
                ib = (i // 8) * tile_words + (i % 8) * LANES
                vals = [plsc.load_gather(tab_v, [kvec + (f * num_keys)])
                        for f in range(out_dim)]
                for f in range(out_dim):
                    block_v[bb][f // 8, pl.ds(ib + (f % 8) * 128, LANES)] = (
                        vals[f])

            pltpu.async_copy(
                block_v[bb],
                out_hbm.at[c, :, pl.ds(wid * run, run)],
                sem_s[bb],
            )

        def pair_body(t, carry):
            do_card(2 * t, 0, t == 0)
            do_card(2 * t + 1, 1, t == 0)
            return carry

        lax.fori_loop(0, num_cards // 2, pair_body, 0)
        for bb in range(2):
            pltpu.make_async_copy(
                block_v[bb],
                out_hbm.at[0, :, pl.ds(wid * run, run)],
                sem_s[bb],
            ).wait()

    return sc_embed


_sc_embed_cached = None


def _get_sc_embed(batch, num_cards, out_dim, num_keys):
    global _sc_embed_cached
    if _sc_embed_cached is None:
        _sc_embed_cached = _make_sc_embed(batch, num_cards, out_dim, num_keys)
    return _sc_embed_cached


def kernel(ranks, suits, rank_weight, suit_weight):
    batch, num_cards = ranks.shape
    num_ranks, rank_dim = rank_weight.shape
    num_suits, suit_dim = suit_weight.shape
    out_dim = rank_dim + suit_dim
    num_keys = num_ranks * num_suits

    combined = jnp.concatenate(
        [
            jnp.repeat(rank_weight, num_suits, axis=0),
            jnp.tile(suit_weight, (num_ranks, 1)),
        ],
        axis=1,
    )
    table_t = combined.T.reshape(-1)

    keys_t = (ranks * num_suits + suits).T

    fn = _get_sc_embed(batch, num_cards, out_dim, num_keys)
    out_tiled = fn(keys_t, table_t)
    out5 = out_tiled.reshape(num_cards, out_dim // 8, batch // 128, 8, 128)
    out = jnp.transpose(out5, (2, 4, 0, 1, 3))
    return out.reshape(batch, num_cards, out_dim)

# --- scband reference (transcript-rebuilt; emitter-appended) ---
"""Pipeline reference for scband-card-embedding-44066364457170 (READ-ONLY COPY).

The authoritative reference and input builder live on the scoring server;
editing this copy changes nothing except your own understanding.
"""

import jax, jax.numpy as jnp
import numpy as np


def setup_inputs(seed: int = 0) -> dict:
    key = jax.random.key(seed)
    k1, k2, k3, k4 = jax.random.split(key, 4)
    batch, num_cards = 16384, 20
    rank_dim, suit_dim = 16, 8
    ranks = jax.random.randint(k1, (batch, num_cards), 0, 14, dtype=jnp.int64 if jax.config.read('jax_enable_x64') else jnp.int32)
    suits = jax.random.randint(k2, (batch, num_cards), 0, 5, dtype=jnp.int64 if jax.config.read('jax_enable_x64') else jnp.int32)
    rank_weight = jax.random.normal(k3, (14, rank_dim), dtype=jnp.float32) * 0.02
    suit_weight = jax.random.normal(k4, (5, suit_dim), dtype=jnp.float32) * 0.02
    return {"ranks": ranks, "suits": suits, "rank_weight": rank_weight, "suit_weight": suit_weight}


def reference(ranks, suits, rank_weight, suit_weight):
    # rank_emb: (batch, num_cards, rank_dim) via embedding gather
    rank_emb = jnp.take(rank_weight, ranks, axis=0)
    # suit_emb: (batch, num_cards, suit_dim)
    suit_emb = jnp.take(suit_weight, suits, axis=0)
    # concat along last dim -> (batch, num_cards, rank_dim + suit_dim)
    return jnp.concatenate([rank_emb, suit_emb], axis=-1)

if __name__ == "__main__":
    import jax
    _d = setup_inputs()
    print(jax.jit(kernel)(*tuple(_d.values())))

</pallas_src>

<mosaic_0001>
#map = affine_map<(d0, d1) -> (0, 0)>
#map1 = affine_map<(d0, d1) -> (0)>
#map2 = affine_map<(d0, d1) -> (0, 0, 0)>
module attributes {stable_mosaic.version = 14 : i64} {
  func.func @sc_embed(%arg0: i32, %arg1: i32, %arg2: memref<20x16384xi32, #tpu.memory_space<hbm>>, %arg3: memref<1680xf32, #tpu.memory_space<hbm>>, %arg4: memref<20x3x131072xf32, #tpu.memory_space<hbm>>, %arg5: memref<1680xf32, #tpu.memory_space<vmem>>, %arg6: memref<20x512xi32, #tpu.memory_space<vmem>>, %arg7: memref<3x4096xf32, #tpu.memory_space<vmem>>, %arg8: memref<3x4096xf32, #tpu.memory_space<vmem>>, %arg9: memref<!tpu.dma_semaphore, #tpu.memory_space<semaphore_mem>>, %arg10: memref<!tpu.dma_semaphore, #tpu.memory_space<semaphore_mem>>) attributes {dimension_semantics = [#tpu.dimension_semantics<core_parallel>, #tpu.dimension_semantics<subcore_parallel>], iteration_bounds = array<i64: 2, 16>, scalar_prefetch = 0 : i64, scratch_operands = 6 : i64, tpu.core_type = #tpu.core_type<sc_vector_subcore>, window_params = [{transform_indices = #map}, {transform_indices = #map1}, {transform_indices = #map2}]} {
    %mul3A = arith.constant 2 : i32
    %mul3A_0 = arith.muli %arg1, %mul3A : i32
    %add3A = arith.addi %mul3A_0, %arg0 : i32
    %mul3A_1 = arith.constant 512 : i32
    %mul3A_2 = arith.muli %add3A, %mul3A_1 : i32
    "tpu.region"() ({
      %run_scoped3A = tpu.sem_alloc : memref<!tpu.dma_semaphore, #tpu.memory_space<semaphore_mem>>
      tpu.enqueue_dma source(%arg3 : memref<1680xf32, #tpu.memory_space<hbm>>) target(%arg5 : memref<1680xf32, #tpu.memory_space<vmem>>) target_semaphore(%run_scoped3A : memref<!tpu.dma_semaphore, #tpu.memory_space<semaphore_mem>>)
      tpu.wait_dma2 semaphore(%run_scoped3A : memref<!tpu.dma_semaphore, #tpu.memory_space<semaphore_mem>>) src(%arg3 : memref<1680xf32, #tpu.memory_space<hbm>>) dst(%arg5 : memref<1680xf32, #tpu.memory_space<vmem>>)
      tpu.yield
    }) : () -> ()
    "tpu.region"() ({
      %run_scoped3A = tpu.sem_alloc : memref<!tpu.dma_semaphore, #tpu.memory_space<semaphore_mem>>
      %dma_start3A = arith.constant 0 : i32
      %dma_start3A_25 = tpu.memref_slice %arg2[%dma_start3A, %mul3A_2] : memref<20x16384xi32, #tpu.memory_space<hbm>> -> memref<20x512xi32, #tpu.memory_space<hbm>>
      %dma_start3A_26 = arith.constant 0 : i32
      %dma_start3A_27 = tpu.memref_slice %arg2[%dma_start3A_26, %mul3A_2] : memref<20x16384xi32, #tpu.memory_space<hbm>> -> memref<20x512xi32, #tpu.memory_space<hbm>>
      tpu.enqueue_dma source(%dma_start3A_27 : memref<20x512xi32, #tpu.memory_space<hbm>>) target(%arg6 : memref<20x512xi32, #tpu.memory_space<vmem>>) target_semaphore(%run_scoped3A : memref<!tpu.dma_semaphore, #tpu.memory_space<semaphore_mem>>)
      %dma_wait3A_28 = arith.constant 0 : i32
      %dma_wait3A_29 = tpu.memref_slice %arg2[%dma_wait3A_28, %mul3A_2] : memref<20x16384xi32, #tpu.memory_space<hbm>> -> memref<20x512xi32, #tpu.memory_space<hbm>>
      %dma_wait3A_30 = arith.constant 0 : i32
      %dma_wait3A_31 = tpu.memref_slice %arg2[%dma_wait3A_30, %mul3A_2] : memref<20x16384xi32, #tpu.memory_space<hbm>> -> memref<20x512xi32, #tpu.memory_space<hbm>>
      tpu.wait_dma2 semaphore(%run_scoped3A : memref<!tpu.dma_semaphore, #tpu.memory_space<semaphore_mem>>) src(%dma_wait3A_31 : memref<20x512xi32, #tpu.memory_space<hbm>>) dst(%arg6 : memref<20x512xi32, #tpu.memory_space<vmem>>)
      tpu.yield
    }) : () -> ()
    %scan3A = arith.constant 0 : i32
    %scan3A_3 = arith.constant 0 : i32
    %scan3A_4 = arith.constant 10 : i32
    %scan3A_5 = arith.addi %scan3A_3, %scan3A_4 : i32
    %scan3A_6 = arith.constant 1 : i32
    scf.for %scan3A_25 = %scan3A_3 to %scan3A_5 step %scan3A_6  : i32 {
      %mul3A_26 = arith.constant 2 : i32
      %mul3A_27 = arith.muli %mul3A_26, %scan3A_25 : i32
      %eq3A = arith.constant 0 : i32
      %eq3A_28 = arith.cmpi eq, %scan3A_25, %eq3A : i32
      %not3A = arith.constant true
      %not3A_29 = arith.xori %eq3A_28, %not3A : i1
      %convert_element_type3A = arith.extui %not3A_29 : i1 to i32
      %cond3A = arith.constant 0 : i32
      %cond3A_30 = arith.cmpi ne, %convert_element_type3A, %cond3A : i32
      scf.if %cond3A_30 {
        %mul3A_62 = arith.constant 4096 : i32
        %mul3A_63 = arith.muli %add3A, %mul3A_62 : i32
        %dma_wait3A_64 = arith.constant 0 : i32
        %dma_wait3A_65 = tpu.memref_slice %arg4[%mul3A_27, %dma_wait3A_64, %mul3A_63] : memref<20x3x131072xf32, #tpu.memory_space<hbm>> -> memref<1x3x4096xf32, #tpu.memory_space<hbm>>
        %dma_wait3A_66 = tpu.memref_squeeze %dma_wait3A_65 : memref<1x3x4096xf32, #tpu.memory_space<hbm>> -> memref<3x4096xf32, #tpu.memory_space<hbm>>
        %dma_wait3A_67 = arith.constant 0 : i32
        %dma_wait3A_68 = tpu.memref_slice %arg4[%mul3A_27, %dma_wait3A_67, %mul3A_63] : memref<20x3x131072xf32, #tpu.memory_space<hbm>> -> memref<1x3x4096xf32, #tpu.memory_space<hbm>>
        %dma_wait3A_69 = tpu.memref_squeeze %dma_wait3A_68 : memref<1x3x4096xf32, #tpu.memory_space<hbm>> -> memref<3x4096xf32, #tpu.memory_space<hbm>>
        tpu.wait_dma2 semaphore(%arg9 : memref<!tpu.dma_semaphore, #tpu.memory_space<semaphore_mem>>) src(%arg7 : memref<3x4096xf32, #tpu.memory_space<vmem>>) dst(%dma_wait3A_69 : memref<3x4096xf32, #tpu.memory_space<hbm>>)
      } else {
      }
      %parallel_loop3A = arith.constant 0 : i32
      %parallel_loop3A_31 = arith.constant 32 : i32
      %parallel_loop3A_32 = arith.constant 1 : i32
      scf.for %parallel_loop3A_62 = %parallel_loop3A to %parallel_loop3A_31 step %parallel_loop3A_32  : i32 {
        %parallel_loop3A_63 = arith.constant 16 : i32
        %parallel_loop3A_64 = arith.muli %parallel_loop3A_62, %parallel_loop3A_63 : i32
        %parallel_loop3A_65 = arith.index_cast %mul3A_27 : i32 to index
        %parallel_loop3A_66 = arith.index_cast %parallel_loop3A_64 : i32 to index
        %parallel_loop3A_67 = tpu.vector_load %arg6[%parallel_loop3A_65, %parallel_loop3A_66] {strides = array<i32>} : memref<20x512xi32, #tpu.memory_space<vmem>>, vector<16xi32>,
        %parallel_loop3A_68 = arith.constant 8 : i32
        %parallel_loop3A_69 = arith.divsi %parallel_loop3A_62, %parallel_loop3A_68 : i32
        %parallel_loop3A_70 = arith.constant 0 : i32
        %parallel_loop3A_71 = arith.cmpi sgt, %parallel_loop3A_62, %parallel_loop3A_70 : i32
        %parallel_loop3A_72 = arith.extui %parallel_loop3A_71 : i1 to i32
        %parallel_loop3A_73 = arith.constant 0 : i32
        %parallel_loop3A_74 = arith.cmpi slt, %parallel_loop3A_62, %parallel_loop3A_73 : i32
        %parallel_loop3A_75 = arith.extui %parallel_loop3A_74 : i1 to i32
        %parallel_loop3A_76 = arith.subi %parallel_loop3A_72, %parallel_loop3A_75 : i32
        %parallel_loop3A_77 = arith.constant 0 : i32
        %parallel_loop3A_78 = arith.cmpi sgt, %parallel_loop3A_68, %parallel_loop3A_77 : i32
        %parallel_loop3A_79 = arith.extui %parallel_loop3A_78 : i1 to i32
        %parallel_loop3A_80 = arith.constant 0 : i32
        %parallel_loop3A_81 = arith.cmpi slt, %parallel_loop3A_68, %parallel_loop3A_80 : i32
        %parallel_loop3A_82 = arith.extui %parallel_loop3A_81 : i1 to i32
        %parallel_loop3A_83 = arith.subi %parallel_loop3A_79, %parallel_loop3A_82 : i32
        %parallel_loop3A_84 = arith.cmpi ne, %parallel_loop3A_76, %parallel_loop3A_83 : i32
        %parallel_loop3A_85 = arith.remsi %parallel_loop3A_62, %parallel_loop3A_68 : i32
        %parallel_loop3A_86 = arith.constant 0 : i32
        %parallel_loop3A_87 = arith.cmpi ne, %parallel_loop3A_85, %parallel_loop3A_86 : i32
        %parallel_loop3A_88 = arith.andi %parallel_loop3A_84, %parallel_loop3A_87 : i1
        %parallel_loop3A_89 = arith.constant 1 : i32
        %parallel_loop3A_90 = arith.subi %parallel_loop3A_69, %parallel_loop3A_89 : i32
        %parallel_loop3A_91 = arith.select %parallel_loop3A_88, %parallel_loop3A_90, %parallel_loop3A_69 : i32
        %parallel_loop3A_92 = arith.constant 1024 : i32
        %parallel_loop3A_93 = arith.muli %parallel_loop3A_91, %parallel_loop3A_92 : i32
        %parallel_loop3A_94 = arith.constant 8 : i32
        %parallel_loop3A_95 = arith.constant 0 : i32
        %parallel_loop3A_96 = arith.cmpi eq, %parallel_loop3A_94, %parallel_loop3A_95 : i32
        %parallel_loop3A_97 = arith.constant 1 : i32
        %parallel_loop3A_98 = arith.select %parallel_loop3A_96, %parallel_loop3A_97, %parallel_loop3A_94 : i32
        %parallel_loop3A_99 = arith.remsi %parallel_loop3A_62, %parallel_loop3A_98 : i32
        %parallel_loop3A_100 = arith.constant 0 : i32
        %parallel_loop3A_101 = arith.cmpi ne, %parallel_loop3A_99, %parallel_loop3A_100 : i32
        %parallel_loop3A_102 = arith.constant 0 : i32
        %parallel_loop3A_103 = arith.cmpi slt, %parallel_loop3A_99, %parallel_loop3A_102 : i32
        %parallel_loop3A_104 = arith.constant 0 : i32
        %parallel_loop3A_105 = arith.cmpi slt, %parallel_loop3A_98, %parallel_loop3A_104 : i32
        %parallel_loop3A_106 = arith.xori %parallel_loop3A_103, %parallel_loop3A_105 : i1
        %parallel_loop3A_107 = arith.andi %parallel_loop3A_106, %parallel_loop3A_101 : i1
        %parallel_loop3A_108 = arith.addi %parallel_loop3A_99, %parallel_loop3A_98 : i32
        %parallel_loop3A_109 = arith.select %parallel_loop3A_107, %parallel_loop3A_108, %parallel_loop3A_99 : i32
        %parallel_loop3A_110 = arith.constant 16 : i32
        %parallel_loop3A_111 = arith.muli %parallel_loop3A_109, %parallel_loop3A_110 : i32
        %parallel_loop3A_112 = arith.addi %parallel_loop3A_93, %parallel_loop3A_111 : i32
        %parallel_loop3A_113 = arith.constant 0 : i32
        %parallel_loop3A_114 = vector.broadcast %parallel_loop3A_113 : i32 to vector<16xi32>
        %parallel_loop3A_115 = arith.addi %parallel_loop3A_67, %parallel_loop3A_114 : vector<16xi32>
        %parallel_loop3A_116 = tpu.vector_load_idx %arg5[%parallel_loop3A_115] : memref<1680xf32, #tpu.memory_space<vmem>>[vector<16xi32>], vector<16xf32>,
        %parallel_loop3A_117 = arith.constant 70 : i32
        %parallel_loop3A_118 = vector.broadcast %parallel_loop3A_117 : i32 to vector<16xi32>
        %parallel_loop3A_119 = arith.addi %parallel_loop3A_67, %parallel_loop3A_118 : vector<16xi32>
        %parallel_loop3A_120 = tpu.vector_load_idx %arg5[%parallel_loop3A_119] : memref<1680xf32, #tpu.memory_space<vmem>>[vector<16xi32>], vector<16xf32>,
        %parallel_loop3A_121 = arith.constant 140 : i32
        %parallel_loop3A_122 = vector.broadcast %parallel_loop3A_121 : i32 to vector<16xi32>
        %parallel_loop3A_123 = arith.addi %parallel_loop3A_67, %parallel_loop3A_122 : vector<16xi32>
        %parallel_loop3A_124 = tpu.vector_load_idx %arg5[%parallel_loop3A_123] : memref<1680xf32, #tpu.memory_space<vmem>>[vector<16xi32>], vector<16xf32>,
        %parallel_loop3A_125 = arith.constant 210 : i32
        %parallel_loop3A_126 = vector.broadcast %parallel_loop3A_125 : i32 to vector<16xi32>
        %parallel_loop3A_127 = arith.addi %parallel_loop3A_67, %parallel_loop3A_126 : vector<16xi32>
        %parallel_loop3A_128 = tpu.vector_load_idx %arg5[%parallel_loop3A_127] : memref<1680xf32, #tpu.memory_space<vmem>>[vector<16xi32>], vector<16xf32>,
        %parallel_loop3A_129 = arith.constant 280 : i32
        %parallel_loop3A_130 = vector.broadcast %parallel_loop3A_129 : i32 to vector<16xi32>
        %parallel_loop3A_131 = arith.addi %parallel_loop3A_67, %parallel_loop3A_130 : vector<16xi32>
        %parallel_loop3A_132 = tpu.vector_load_idx %arg5[%parallel_loop3A_131] : memref<1680xf32, #tpu.memory_space<vmem>>[vector<16xi32>], vector<16xf32>,
        %parallel_loop3A_133 = arith.constant 350 : i32
        %parallel_loop3A_134 = vector.broadcast %parallel_loop3A_133 : i32 to vector<16xi32>
        %parallel_loop3A_135 = arith.addi %parallel_loop3A_67, %parallel_loop3A_134 : vector<16xi32>
        %parallel_loop3A_136 = tpu.vector_load_idx %arg5[%parallel_loop3A_135] : memref<1680xf32, #tpu.memory_space<vmem>>[vector<16xi32>], vector<16xf32>,
        %parallel_loop3A_137 = arith.constant 420 : i32
        %parallel_loop3A_138 = vector.broadcast %parallel_loop3A_137 : i32 to vector<16xi32>
        %parallel_loop3A_139 = arith.addi %parallel_loop3A_67, %parallel_loop3A_138 : vector<16xi32>
        %parallel_loop3A_140 = tpu.vector_load_idx %arg5[%parallel_loop3A_139] : memref<1680xf32, #tpu.memory_space<vmem>>[vector<16xi32>], vector<16xf32>,
        %parallel_loop3A_141 = arith.constant 490 : i32
        %parallel_loop3A_142 = vector.broadcast %parallel_loop3A_141 : i32 to vector<16xi32>
        %parallel_loop3A_143 = arith.addi %parallel_loop3A_67, %parallel_loop3A_142 : vector<16xi32>
        %parallel_loop3A_144 = tpu.vector_load_idx %arg5[%parallel_loop3A_143] : memref<1680xf32, #tpu.memory_space<vmem>>[vector<16xi32>], vector<16xf32>,
        %parallel_loop3A_145 = arith.constant 560 : i32
        %parallel_loop3A_146 = vector.broadcast %parallel_loop3A_145 : i32 to vector<16xi32>
        %parallel_loop3A_147 = arith.addi %parallel_loop3A_67, %parallel_loop3A_146 : vector<16xi32>
        %parallel_loop3A_148 = tpu.vector_load_idx %arg5[%parallel_loop3A_147] : memref<1680xf32, #tpu.memory_space<vmem>>[vector<16xi32>], vector<16xf32>,
        %parallel_loop3A_149 = arith.constant 630 : i32
        %parallel_loop3A_150 = vector.broadcast %parallel_loop3A_149 : i32 to vector<16xi32>
        %parallel_loop3A_151 = arith.addi %parallel_loop3A_67, %parallel_loop3A_150 : vector<16xi32>
        %parallel_loop3A_152 = tpu.vector_load_idx %arg5[%parallel_loop3A_151] : memref<1680xf32, #tpu.memory_space<vmem>>[vector<16xi32>], vector<16xf32>,
        %parallel_loop3A_153 = arith.constant 700 : i32
        %parallel_loop3A_154 = vector.broadcast %parallel_loop3A_153 : i32 to vector<16xi32>
        %parallel_loop3A_155 = arith.addi %parallel_loop3A_67, %parallel_loop3A_154 : vector<16xi32>
        %parallel_loop3A_156 = tpu.vector_load_idx %arg5[%parallel_loop3A_155] : memref<1680xf32, #tpu.memory_space<vmem>>[vector<16xi32>], vector<16xf32>,
        %parallel_loop3A_157 = arith.constant 770 : i32
        %parallel_loop3A_158 = vector.broadcast %parallel_loop3A_157 : i32 to vector<16xi32>
        %parallel_loop3A_159 = arith.addi %parallel_loop3A_67, %parallel_loop3A_158 : vector<16xi32>
        %parallel_loop3A_160 = tpu.vector_load_idx %arg5[%parallel_loop3A_159] : memref<1680xf32, #tpu.memory_space<vmem>>[vector<16xi32>], vector<16xf32>,
        %parallel_loop3A_161 = arith.constant 840 : i32
        %parallel_loop3A_162 = vector.broadcast %parallel_loop3A_161 : i32 to vector<16xi32>
        %parallel_loop3A_163 = arith.addi %parallel_loop3A_67, %parallel_loop3A_162 : vector<16xi32>
        %parallel_loop3A_164 = tpu.vector_load_idx %arg5[%parallel_loop3A_163] : memref<1680xf32, #tpu.memory_space<vmem>>[vector<16xi32>], vector<16xf32>,
        %parallel_loop3A_165 = arith.constant 910 : i32
        %parallel_loop3A_166 = vector.broadcast %parallel_loop3A_165 : i32 to vector<16xi32>
        %parallel_loop3A_167 = arith.addi %parallel_loop3A_67, %parallel_loop3A_166 : vector<16xi32>
        %parallel_loop3A_168 = tpu.vector_load_idx %arg5[%parallel_loop3A_167] : memref<1680xf32, #tpu.memory_space<vmem>>[vector<16xi32>], vector<16xf32>,
        %parallel_loop3A_169 = arith.constant 980 : i32
        %parallel_loop3A_170 = vector.broadcast %parallel_loop3A_169 : i32 to vector<16xi32>
        %parallel_loop3A_171 = arith.addi %parallel_loop3A_67, %parallel_loop3A_170 : vector<16xi32>
        %parallel_loop3A_172 = tpu.vector_load_idx %arg5[%parallel_loop3A_171] : memref<1680xf32, #tpu.memory_space<vmem>>[vector<16xi32>], vector<16xf32>,
        %parallel_loop3A_173 = arith.constant 1050 : i32
        %parallel_loop3A_174 = vector.broadcast %parallel_loop3A_173 : i32 to vector<16xi32>
        %parallel_loop3A_175 = arith.addi %parallel_loop3A_67, %parallel_loop3A_174 : vector<16xi32>
        %parallel_loop3A_176 = tpu.vector_load_idx %arg5[%parallel_loop3A_175] : memref<1680xf32, #tpu.memory_space<vmem>>[vector<16xi32>], vector<16xf32>,
        %parallel_loop3A_177 = arith.constant 1120 : i32
        %parallel_loop3A_178 = vector.broadcast %parallel_loop3A_177 : i32 to vector<16xi32>
        %parallel_loop3A_179 = arith.addi %parallel_loop3A_67, %parallel_loop3A_178 : vector<16xi32>
        %parallel_loop3A_180 = tpu.vector_load_idx %arg5[%parallel_loop3A_179] : memref<1680xf32, #tpu.memory_space<vmem>>[vector<16xi32>], vector<16xf32>,
        %parallel_loop3A_181 = arith.constant 1190 : i32
        %parallel_loop3A_182 = vector.broadcast %parallel_loop3A_181 : i32 to vector<16xi32>
        %parallel_loop3A_183 = arith.addi %parallel_loop3A_67, %parallel_loop3A_182 : vector<16xi32>
        %parallel_loop3A_184 = tpu.vector_load_idx %arg5[%parallel_loop3A_183] : memref<1680xf32, #tpu.memory_space<vmem>>[vector<16xi32>], vector<16xf32>,
        %parallel_loop3A_185 = arith.constant 1260 : i32
        %parallel_loop3A_186 = vector.broadcast %parallel_loop3A_185 : i32 to vector<16xi32>
        %parallel_loop3A_187 = arith.addi %parallel_loop3A_67, %parallel_loop3A_186 : vector<16xi32>
        %parallel_loop3A_188 = tpu.vector_load_idx %arg5[%parallel_loop3A_187] : memref<1680xf32, #tpu.memory_space<vmem>>[vector<16xi32>], vector<16xf32>,
        %parallel_loop3A_189 = arith.constant 1330 : i32
        %parallel_loop3A_190 = vector.broadcast %parallel_loop3A_189 : i32 to vector<16xi32>
        %parallel_loop3A_191 = arith.addi %parallel_loop3A_67, %parallel_loop3A_190 : vector<16xi32>
        %parallel_loop3A_192 = tpu.vector_load_idx %arg5[%parallel_loop3A_191] : memref<1680xf32, #tpu.memory_space<vmem>>[vector<16xi32>], vector<16xf32>,
        %parallel_loop3A_193 = arith.constant 1400 : i32
        %parallel_loop3A_194 = vector.broadcast %parallel_loop3A_193 : i32 to vector<16xi32>
        %parallel_loop3A_195 = arith.addi %parallel_loop3A_67, %parallel_loop3A_194 : vector<16xi32>
        %parallel_loop3A_196 = tpu.vector_load_idx %arg5[%parallel_loop3A_195] : memref<1680xf32, #tpu.memory_space<vmem>>[vector<16xi32>], vector<16xf32>,
        %parallel_loop3A_197 = arith.constant 1470 : i32
        %parallel_loop3A_198 = vector.broadcast %parallel_loop3A_197 : i32 to vector<16xi32>
        %parallel_loop3A_199 = arith.addi %parallel_loop3A_67, %parallel_loop3A_198 : vector<16xi32>
        %parallel_loop3A_200 = tpu.vector_load_idx %arg5[%parallel_loop3A_199] : memref<1680xf32, #tpu.memory_space<vmem>>[vector<16xi32>], vector<16xf32>,
        %parallel_loop3A_201 = arith.constant 1540 : i32
        %parallel_loop3A_202 = vector.broadcast %parallel_loop3A_201 : i32 to vector<16xi32>
        %parallel_loop3A_203 = arith.addi %parallel_loop3A_67, %parallel_loop3A_202 : vector<16xi32>
        %parallel_loop3A_204 = tpu.vector_load_idx %arg5[%parallel_loop3A_203] : memref<1680xf32, #tpu.memory_space<vmem>>[vector<16xi32>], vector<16xf32>,
        %parallel_loop3A_205 = arith.constant 1610 : i32
        %parallel_loop3A_206 = vector.broadcast %parallel_loop3A_205 : i32 to vector<16xi32>
        %parallel_loop3A_207 = arith.addi %parallel_loop3A_67, %parallel_loop3A_206 : vector<16xi32>
        %parallel_loop3A_208 = tpu.vector_load_idx %arg5[%parallel_loop3A_207] : memref<1680xf32, #tpu.memory_space<vmem>>[vector<16xi32>], vector<16xf32>,
        %parallel_loop3A_209 = arith.constant 0 : i32
        %parallel_loop3A_210 = arith.addi %parallel_loop3A_112, %parallel_loop3A_209 : i32
        %parallel_loop3A_211 = arith.constant 0 : i32
        %parallel_loop3A_212 = arith.index_cast %parallel_loop3A_211 : i32 to index
        %parallel_loop3A_213 = arith.index_cast %parallel_loop3A_210 : i32 to index
        %parallel_loop3A_214 = tpu.vector_load %arg7[%parallel_loop3A_212, %parallel_loop3A_213] {strides = array<i32>} : memref<3x4096xf32, #tpu.memory_space<vmem>>, vector<16xf32>,
        tpu.vector_store %arg7[%parallel_loop3A_212, %parallel_loop3A_213], %parallel_loop3A_116 {strides = array<i32>} : memref<3x4096xf32, #tpu.memory_space<vmem>>, vector<16xf32>,
        %parallel_loop3A_215 = arith.constant 128 : i32
        %parallel_loop3A_216 = arith.addi %parallel_loop3A_112, %parallel_loop3A_215 : i32
        %parallel_loop3A_217 = arith.constant 0 : i32
        %parallel_loop3A_218 = arith.index_cast %parallel_loop3A_217 : i32 to index
        %parallel_loop3A_219 = arith.index_cast %parallel_loop3A_216 : i32 to index
        %parallel_loop3A_220 = tpu.vector_load %arg7[%parallel_loop3A_218, %parallel_loop3A_219] {strides = array<i32>} : memref<3x4096xf32, #tpu.memory_space<vmem>>, vector<16xf32>,
        tpu.vector_store %arg7[%parallel_loop3A_218, %parallel_loop3A_219], %parallel_loop3A_120 {strides = array<i32>} : memref<3x4096xf32, #tpu.memory_space<vmem>>, vector<16xf32>,
        %parallel_loop3A_221 = arith.constant 256 : i32
        %parallel_loop3A_222 = arith.addi %parallel_loop3A_112, %parallel_loop3A_221 : i32
        %parallel_loop3A_223 = arith.constant 0 : i32
        %parallel_loop3A_224 = arith.index_cast %parallel_loop3A_223 : i32 to index
        %parallel_loop3A_225 = arith.index_cast %parallel_loop3A_222 : i32 to index
        %parallel_loop3A_226 = tpu.vector_load %arg7[%parallel_loop3A_224, %parallel_loop3A_225] {strides = array<i32>} : memref<3x4096xf32, #tpu.memory_space<vmem>>, vector<16xf32>,
        tpu.vector_store %arg7[%parallel_loop3A_224, %parallel_loop3A_225], %parallel_loop3A_124 {strides = array<i32>} : memref<3x4096xf32, #tpu.memory_space<vmem>>, vector<16xf32>,
        %parallel_loop3A_227 = arith.constant 384 : i32
        %parallel_loop3A_228 = arith.addi %parallel_loop3A_112, %parallel_loop3A_227 : i32
        %parallel_loop3A_229 = arith.constant 0 : i32
        %parallel_loop3A_230 = arith.index_cast %parallel_loop3A_229 : i32 to index
        %parallel_loop3A_231 = arith.index_cast %parallel_loop3A_228 : i32 to index
        %parallel_loop3A_232 = tpu.vector_load %arg7[%parallel_loop3A_230, %parallel_loop3A_231] {strides = array<i32>} : memref<3x4096xf32, #tpu.memory_space<vmem>>, vector<16xf32>,
        tpu.vector_store %arg7[%parallel_loop3A_230, %parallel_loop3A_231], %parallel_loop3A_128 {strides = array<i32>} : memref<3x4096xf32, #tpu.memory_space<vmem>>, vector<16xf32>,
        %parallel_loop3A_233 = arith.constant 512 : i32
        %parallel_loop3A_234 = arith.addi %parallel_loop3A_112, %parallel_loop3A_233 : i32
        %parallel_loop3A_235 = arith.constant 0 : i32
        %parallel_loop3A_236 = arith.index_cast %parallel_loop3A_235 : i32 to index
        %parallel_loop3A_237 = arith.index_cast %parallel_loop3A_234 : i32 to index
        %parallel_loop3A_238 = tpu.vector_load %arg7[%parallel_loop3A_236, %parallel_loop3A_237] {strides = array<i32>} : memref<3x4096xf32, #tpu.memory_space<vmem>>, vector<16xf32>,
        tpu.vector_store %arg7[%parallel_loop3A_236, %parallel_loop3A_237], %parallel_loop3A_132 {strides = array<i32>} : memref<3x4096xf32, #tpu.memory_space<vmem>>, vector<16xf32>,
        %parallel_loop3A_239 = arith.constant 640 : i32
        %parallel_loop3A_240 = arith.addi %parallel_loop3A_112, %parallel_loop3A_239 : i32
        %parallel_loop3A_241 = arith.constant 0 : i32
        %parallel_loop3A_242 = arith.index_cast %parallel_loop3A_241 : i32 to index
        %parallel_loop3A_243 = arith.index_cast %parallel_loop3A_240 : i32 to index
        %parallel_loop3A_244 = tpu.vector_load %arg7[%parallel_loop3A_242, %parallel_loop3A_243] {strides = array<i32>} : memref<3x4096xf32, #tpu.memory_space<vmem>>, vector<16xf32>,
        tpu.vector_store %arg7[%parallel_loop3A_242, %parallel_loop3A_243], %parallel_loop3A_136 {strides = array<i32>} : memref<3x4096xf32, #tpu.memory_space<vmem>>, vector<16xf32>,
        %parallel_loop3A_245 = arith.constant 768 : i32
        %parallel_loop3A_246 = arith.addi %parallel_loop3A_112, %parallel_loop3A_245 : i32
        %parallel_loop3A_247 = arith.constant 0 : i32
        %parallel_loop3A_248 = arith.index_cast %parallel_loop3A_247 : i32 to index
        %parallel_loop3A_249 = arith.index_cast %parallel_loop3A_246 : i32 to index
        %parallel_loop3A_250 = tpu.vector_load %arg7[%parallel_loop3A_248, %parallel_loop3A_249] {strides = array<i32>} : memref<3x4096xf32, #tpu.memory_space<vmem>>, vector<16xf32>,
        tpu.vector_store %arg7[%parallel_loop3A_248, %parallel_loop3A_249], %parallel_loop3A_140 {strides = array<i32>} : memref<3x4096xf32, #tpu.memory_space<vmem>>, vector<16xf32>,
        %parallel_loop3A_251 = arith.constant 896 : i32
        %parallel_loop3A_252 = arith.addi %parallel_loop3A_112, %parallel_loop3A_251 : i32
        %parallel_loop3A_253 = arith.constant 0 : i32
        %parallel_loop3A_254 = arith.index_cast %parallel_loop3A_253 : i32 to index
        %parallel_loop3A_255 = arith.index_cast %parallel_loop3A_252 : i32 to index
        %parallel_loop3A_256 = tpu.vector_load %arg7[%parallel_loop3A_254, %parallel_loop3A_255] {strides = array<i32>} : memref<3x4096xf32, #tpu.memory_space<vmem>>, vector<16xf32>,
        tpu.vector_store %arg7[%parallel_loop3A_254, %parallel_loop3A_255], %parallel_loop3A_144 {strides = array<i32>} : memref<3x4096xf32, #tpu.memory_space<vmem>>, vector<16xf32>,
        %parallel_loop3A_257 = arith.constant 0 : i32
        %parallel_loop3A_258 = arith.addi %parallel_loop3A_112, %parallel_loop3A_257 : i32
        %parallel_loop3A_259 = arith.constant 1 : i32
        %parallel_loop3A_260 = arith.index_cast %parallel_loop3A_259 : i32 to index
        %parallel_loop3A_261 = arith.index_cast %parallel_loop3A_258 : i32 to index
        %parallel_loop3A_262 = tpu.vector_load %arg7[%parallel_loop3A_260, %parallel_loop3A_261] {strides = array<i32>} : memref<3x4096xf32, #tpu.memory_space<vmem>>, vector<16xf32>,
        tpu.vector_store %arg7[%parallel_loop3A_260, %parallel_loop3A_261], %parallel_loop3A_148 {strides = array<i32>} : memref<3x4096xf32, #tpu.memory_space<vmem>>, vector<16xf32>,
        %parallel_loop3A_263 = arith.constant 128 : i32
        %parallel_loop3A_264 = arith.addi %parallel_loop3A_112, %parallel_loop3A_263 : i32
        %parallel_loop3A_265 = arith.constant 1 : i32
        %parallel_loop3A_266 = arith.index_cast %parallel_loop3A_265 : i32 to index
        %parallel_loop3A_267 = arith.index_cast %parallel_loop3A_264 : i32 to index
        %parallel_loop3A_268 = tpu.vector_load %arg7[%parallel_loop3A_266, %parallel_loop3A_267] {strides = array<i32>} : memref<3x4096xf32, #tpu.memory_space<vmem>>, vector<16xf32>,
        tpu.vector_store %arg7[%parallel_loop3A_266, %parallel_loop3A_267], %parallel_loop3A_152 {strides = array<i32>} : memref<3x4096xf32, #tpu.memory_space<vmem>>, vector<16xf32>,
        %parallel_loop3A_269 = arith.constant 256 : i32
        %parallel_loop3A_270 = arith.addi %parallel_loop3A_112, %parallel_loop3A_269 : i32
        %parallel_loop3A_271 = arith.constant 1 : i32
        %parallel_loop3A_272 = arith.index_cast %parallel_loop3A_271 : i32 to index
        %parallel_loop3A_273 = arith.index_cast %parallel_loop3A_270 : i32 to index
        %parallel_loop3A_274 = tpu.vector_load %arg7[%parallel_loop3A_272, %parallel_loop3A_273] {strides = array<i32>} : memref<3x4096xf32, #tpu.memory_space<vmem>>, vector<16xf32>,
        tpu.vector_store %arg7[%parallel_loop3A_272, %parallel_loop3A_273], %parallel_loop3A_156 {strides = array<i32>} : memref<3x4096xf32, #tpu.memory_space<vmem>>, vector<16xf32>,
        %parallel_loop3A_275 = arith.constant 384 : i32
        %parallel_loop3A_276 = arith.addi %parallel_loop3A_112, %parallel_loop3A_275 : i32
        %parallel_loop3A_277 = arith.constant 1 : i32
        %parallel_loop3A_278 = arith.index_cast %parallel_loop3A_277 : i32 to index
        %parallel_loop3A_279 = arith.index_cast %parallel_loop3A_276 : i32 to index
        %parallel_loop3A_280 = tpu.vector_load %arg7[%parallel_loop3A_278, %parallel_loop3A_279] {strides = array<i32>} : memref<3x4096xf32, #tpu.memory_space<vmem>>, vector<16xf32>,
        tpu.vector_store %arg7[%parallel_loop3A_278, %parallel_loop3A_279], %parallel_loop3A_160 {strides = array<i32>} : memref<3x4096xf32, #tpu.memory_space<vmem>>, vector<16xf32>,
        %parallel_loop3A_281 = arith.constant 512 : i32
        %parallel_loop3A_282 = arith.addi %parallel_loop3A_112, %parallel_loop3A_281 : i32
        %parallel_loop3A_283 = arith.constant 1 : i32
        %parallel_loop3A_284 = arith.index_cast %parallel_loop3A_283 : i32 to index
        %parallel_loop3A_285 = arith.index_cast %parallel_loop3A_282 : i32 to index
        %parallel_loop3A_286 = tpu.vector_load %arg7[%parallel_loop3A_284, %parallel_loop3A_285] {strides = array<i32>} : memref<3x4096xf32, #tpu.memory_space<vmem>>, vector<16xf32>,
        tpu.vector_store %arg7[%parallel_loop3A_284, %parallel_loop3A_285], %parallel_loop3A_164 {strides = array<i32>} : memref<3x4096xf32, #tpu.memory_space<vmem>>, vector<16xf32>,
        %parallel_loop3A_287 = arith.constant 640 : i32
        %parallel_loop3A_288 = arith.addi %parallel_loop3A_112, %parallel_loop3A_287 : i32
        %parallel_loop3A_289 = arith.constant 1 : i32
        %parallel_loop3A_290 = arith.index_cast %parallel_loop3A_289 : i32 to index
        %parallel_loop3A_291 = arith.index_cast %parallel_loop3A_288 : i32 to index
        %parallel_loop3A_292 = tpu.vector_load %arg7[%parallel_loop3A_290, %parallel_loop3A_291] {strides = array<i32>} : memref<3x4096xf32, #tpu.memory_space<vmem>>, vector<16xf32>,
        tpu.vector_store %arg7[%parallel_loop3A_290, %parallel_loop3A_291], %parallel_loop3A_168 {strides = array<i32>} : memref<3x4096xf32, #tpu.memory_space<vmem>>, vector<16xf32>,
        %parallel_loop3A_293 = arith.constant 768 : i32
        %parallel_loop3A_294 = arith.addi %parallel_loop3A_112, %parallel_loop3A_293 : i32
        %parallel_loop3A_295 = arith.constant 1 : i32
        %parallel_loop3A_296 = arith.index_cast %parallel_loop3A_295 : i32 to index
        %parallel_loop3A_297 = arith.index_cast %parallel_loop3A_294 : i32 to index
        %parallel_loop3A_298 = tpu.vector_load %arg7[%parallel_loop3A_296, %parallel_loop3A_297] {strides = array<i32>} : memref<3x4096xf32, #tpu.memory_space<vmem>>, vector<16xf32>,
        tpu.vector_store %arg7[%parallel_loop3A_296, %parallel_loop3A_297], %parallel_loop3A_172 {strides = array<i32>} : memref<3x4096xf32, #tpu.memory_space<vmem>>, vector<16xf32>,
        %parallel_loop3A_299 = arith.constant 896 : i32
        %parallel_loop3A_300 = arith.addi %parallel_loop3A_112, %parallel_loop3A_299 : i32
        %parallel_loop3A_301 = arith.constant 1 : i32
        %parallel_loop3A_302 = arith.index_cast %parallel_loop3A_301 : i32 to index
        %parallel_loop3A_303 = arith.index_cast %parallel_loop3A_300 : i32 to index
        %parallel_loop3A_304 = tpu.vector_load %arg7[%parallel_loop3A_302, %parallel_loop3A_303] {strides = array<i32>} : memref<3x4096xf32, #tpu.memory_space<vmem>>, vector<16xf32>,
        tpu.vector_store %arg7[%parallel_loop3A_302, %parallel_loop3A_303], %parallel_loop3A_176 {strides = array<i32>} : memref<3x4096xf32, #tpu.memory_space<vmem>>, vector<16xf32>,
        %parallel_loop3A_305 = arith.constant 0 : i32
        %parallel_loop3A_306 = arith.addi %parallel_loop3A_112, %parallel_loop3A_305 : i32
        %parallel_loop3A_307 = arith.constant 2 : i32
        %parallel_loop3A_308 = arith.index_cast %parallel_loop3A_307 : i32 to index
        %parallel_loop3A_309 = arith.index_cast %parallel_loop3A_306 : i32 to index
        %parallel_loop3A_310 = tpu.vector_load %arg7[%parallel_loop3A_308, %parallel_loop3A_309] {strides = array<i32>} : memref<3x4096xf32, #tpu.memory_space<vmem>>, vector<16xf32>,
        tpu.vector_store %arg7[%parallel_loop3A_308, %parallel_loop3A_309], %parallel_loop3A_180 {strides = array<i32>} : memref<3x4096xf32, #tpu.memory_space<vmem>>, vector<16xf32>,
        %parallel_loop3A_311 = arith.constant 128 : i32
        %parallel_loop3A_312 = arith.addi %parallel_loop3A_112, %parallel_loop3A_311 : i32
        %parallel_loop3A_313 = arith.constant 2 : i32
        %parallel_loop3A_314 = arith.index_cast %parallel_loop3A_313 : i32 to index
        %parallel_loop3A_315 = arith.index_cast %parallel_loop3A_312 : i32 to index
        %parallel_loop3A_316 = tpu.vector_load %arg7[%parallel_loop3A_314, %parallel_loop3A_315] {strides = array<i32>} : memref<3x4096xf32, #tpu.memory_space<vmem>>, vector<16xf32>,
        tpu.vector_store %arg7[%parallel_loop3A_314, %parallel_loop3A_315], %parallel_loop3A_184 {strides = array<i32>} : memref<3x4096xf32, #tpu.memory_space<vmem>>, vector<16xf32>,
        %parallel_loop3A_317 = arith.constant 256 : i32
        %parallel_loop3A_318 = arith.addi %parallel_loop3A_112, %parallel_loop3A_317 : i32
        %parallel_loop3A_319 = arith.constant 2 : i32
        %parallel_loop3A_320 = arith.index_cast %parallel_loop3A_319 : i32 to index
        %parallel_loop3A_321 = arith.index_cast %parallel_loop3A_318 : i32 to index
        %parallel_loop3A_322 = tpu.vector_load %arg7[%parallel_loop3A_320, %parallel_loop3A_321] {strides = array<i32>} : memref<3x4096xf32, #tpu.memory_space<vmem>>, vector<16xf32>,
        tpu.vector_store %arg7[%parallel_loop3A_320, %parallel_loop3A_321], %parallel_loop3A_188 {strides = array<i32>} : memref<3x4096xf32, #tpu.memory_space<vmem>>, vector<16xf32>,
        %parallel_loop3A_323 = arith.constant 384 : i32
        %parallel_loop3A_324 = arith.addi %parallel_loop3A_112, %parallel_loop3A_323 : i32
        %parallel_loop3A_325 = arith.constant 2 : i32
        %parallel_loop3A_326 = arith.index_cast %parallel_loop3A_325 : i32 to index
        %parallel_loop3A_327 = arith.index_cast %parallel_loop3A_324 : i32 to index
        %parallel_loop3A_328 = tpu.vector_load %arg7[%parallel_loop3A_326, %parallel_loop3A_327] {strides = array<i32>} : memref<3x4096xf32, #tpu.memory_space<vmem>>, vector<16xf32>,
        tpu.vector_store %arg7[%parallel_loop3A_326, %parallel_loop3A_327], %parallel_loop3A_192 {strides = array<i32>} : memref<3x4096xf32, #tpu.memory_space<vmem>>, vector<16xf32>,
        %parallel_loop3A_329 = arith.constant 512 : i32
        %parallel_loop3A_330 = arith.addi %parallel_loop3A_112, %parallel_loop3A_329 : i32
        %parallel_loop3A_331 = arith.constant 2 : i32
        %parallel_loop3A_332 = arith.index_cast %parallel_loop3A_331 : i32 to index
        %parallel_loop3A_333 = arith.index_cast %parallel_loop3A_330 : i32 to index
        %parallel_loop3A_334 = tpu.vector_load %arg7[%parallel_loop3A_332, %parallel_loop3A_333] {strides = array<i32>} : memref<3x4096xf32, #tpu.memory_space<vmem>>, vector<16xf32>,
        tpu.vector_store %arg7[%parallel_loop3A_332, %parallel_loop3A_333], %parallel_loop3A_196 {strides = array<i32>} : memref<3x4096xf32, #tpu.memory_space<vmem>>, vector<16xf32>,
        %parallel_loop3A_335 = arith.constant 640 : i32
        %parallel_loop3A_336 = arith.addi %parallel_loop3A_112, %parallel_loop3A_335 : i32
        %parallel_loop3A_337 = arith.constant 2 : i32
        %parallel_loop3A_338 = arith.index_cast %parallel_loop3A_337 : i32 to index
        %parallel_loop3A_339 = arith.index_cast %parallel_loop3A_336 : i32 to index
        %parallel_loop3A_340 = tpu.vector_load %arg7[%parallel_loop3A_338, %parallel_loop3A_339] {strides = array<i32>} : memref<3x4096xf32, #tpu.memory_space<vmem>>, vector<16xf32>,
        tpu.vector_store %arg7[%parallel_loop3A_338, %parallel_loop3A_339], %parallel_loop3A_200 {strides = array<i32>} : memref<3x4096xf32, #tpu.memory_space<vmem>>, vector<16xf32>,
        %parallel_loop3A_341 = arith.constant 768 : i32
        %parallel_loop3A_342 = arith.addi %parallel_loop3A_112, %parallel_loop3A_341 : i32
        %parallel_loop3A_343 = arith.constant 2 : i32
        %parallel_loop3A_344 = arith.index_cast %parallel_loop3A_343 : i32 to index
        %parallel_loop3A_345 = arith.index_cast %parallel_loop3A_342 : i32 to index
        %parallel_loop3A_346 = tpu.vector_load %arg7[%parallel_loop3A_344, %parallel_loop3A_345] {strides = array<i32>} : memref<3x4096xf32, #tpu.memory_space<vmem>>, vector<16xf32>,
        tpu.vector_store %arg7[%parallel_loop3A_344, %parallel_loop3A_345], %parallel_loop3A_204 {strides = array<i32>} : memref<3x4096xf32, #tpu.memory_space<vmem>>, vector<16xf32>,
        %parallel_loop3A_347 = arith.constant 896 : i32
        %parallel_loop3A_348 = arith.addi %parallel_loop3A_112, %parallel_loop3A_347 : i32
        %parallel_loop3A_349 = arith.constant 2 : i32
        %parallel_loop3A_350 = arith.index_cast %parallel_loop3A_349 : i32 to index
        %parallel_loop3A_351 = arith.index_cast %parallel_loop3A_348 : i32 to index
        %parallel_loop3A_352 = tpu.vector_load %arg7[%parallel_loop3A_350, %parallel_loop3A_351] {strides = array<i32>} : memref<3x4096xf32, #tpu.memory_space<vmem>>, vector<16xf32>,
        tpu.vector_store %arg7[%parallel_loop3A_350, %parallel_loop3A_351], %parallel_loop3A_208 {strides = array<i32>} : memref<3x4096xf32, #tpu.memory_space<vmem>>, vector<16xf32>,
      } {sc.loop_unroll_factor = 2 : i64, sc.parallel_access}
      %mul3A_33 = arith.constant 4096 : i32
      %mul3A_34 = arith.muli %add3A, %mul3A_33 : i32
      %dma_start3A = arith.constant 0 : i32
      %dma_start3A_35 = tpu.memref_slice %arg4[%mul3A_27, %dma_start3A, %mul3A_34] : memref<20x3x131072xf32, #tpu.memory_space<hbm>> -> memref<1x3x4096xf32, #tpu.memory_space<hbm>>
      %dma_start3A_36 = tpu.memref_squeeze %dma_start3A_35 : memref<1x3x4096xf32, #tpu.memory_space<hbm>> -> memref<3x4096xf32, #tpu.memory_space<hbm>>
      %dma_start3A_37 = arith.constant 0 : i32
      %dma_start3A_38 = tpu.memref_slice %arg4[%mul3A_27, %dma_start3A_37, %mul3A_34] : memref<20x3x131072xf32, #tpu.memory_space<hbm>> -> memref<1x3x4096xf32, #tpu.memory_space<hbm>>
      %dma_start3A_39 = tpu.memref_squeeze %dma_start3A_38 : memref<1x3x4096xf32, #tpu.memory_space<hbm>> -> memref<3x4096xf32, #tpu.memory_space<hbm>>
      tpu.enqueue_dma source(%arg7 : memref<3x4096xf32, #tpu.memory_space<vmem>>) target(%dma_start3A_39 : memref<3x4096xf32, #tpu.memory_space<hbm>>) target_semaphore(%arg9 : memref<!tpu.dma_semaphore, #tpu.memory_space<semaphore_mem>>)
      %mul3A_40 = arith.constant 2 : i32
      %mul3A_41 = arith.muli %mul3A_40, %scan3A_25 : i32
      %add3A_42 = arith.constant 1 : i32
      %add3A_43 = arith.addi %mul3A_41, %add3A_42 : i32
      %eq3A_44 = arith.constant 0 : i32
      %eq3A_45 = arith.cmpi eq, %scan3A_25, %eq3A_44 : i32
      %not3A_46 = arith.constant true
      %not3A_47 = arith.xori %eq3A_45, %not3A_46 : i1
      %convert_element_type3A_48 = arith.extui %not3A_47 : i1 to i32
      %cond3A_49 = arith.constant 0 : i32
      %cond3A_50 = arith.cmpi ne, %convert_element_type3A_48, %cond3A_49 : i32
      scf.if %cond3A_50 {
        %mul3A_62 = arith.constant 4096 : i32
        %mul3A_63 = arith.muli %add3A, %mul3A_62 : i32
        %dma_wait3A_64 = arith.constant 0 : i32
        %dma_wait3A_65 = tpu.memref_slice %arg4[%add3A_43, %dma_wait3A_64, %mul3A_63] : memref<20x3x131072xf32, #tpu.memory_space<hbm>> -> memref<1x3x4096xf32, #tpu.memory_space<hbm>>
        %dma_wait3A_66 = tpu.memref_squeeze %dma_wait3A_65 : memref<1x3x4096xf32, #tpu.memory_space<hbm>> -> memref<3x4096xf32, #tpu.memory_space<hbm>>
        %dma_wait3A_67 = arith.constant 0 : i32
        %dma_wait3A_68 = tpu.memref_slice %arg4[%add3A_43, %dma_wait3A_67, %mul3A_63] : memref<20x3x131072xf32, #tpu.memory_space<hbm>> -> memref<1x3x4096xf32, #tpu.memory_space<hbm>>
        %dma_wait3A_69 = tpu.memref_squeeze %dma_wait3A_68 : memref<1x3x4096xf32, #tpu.memory_space<hbm>> -> memref<3x4096xf32, #tpu.memory_space<hbm>>
        tpu.wait_dma2 semaphore(%arg10 : memref<!tpu.dma_semaphore, #tpu.memory_space<semaphore_mem>>) src(%arg8 : memref<3x4096xf32, #tpu.memory_space<vmem>>) dst(%dma_wait3A_69 : memref<3x4096xf32, #tpu.memory_space<hbm>>)
      } else {
      }
      %parallel_loop3A_51 = arith.constant 0 : i32
      %parallel_loop3A_52 = arith.constant 32 : i32
      %parallel_loop3A_53 = arith.constant 1 : i32
      scf.for %parallel_loop3A_62 = %parallel_loop3A_51 to %parallel_loop3A_52 step %parallel_loop3A_53  : i32 {
        %parallel_loop3A_63 = arith.constant 16 : i32
        %parallel_loop3A_64 = arith.muli %parallel_loop3A_62, %parallel_loop3A_63 : i32
        %parallel_loop3A_65 = arith.index_cast %add3A_43 : i32 to index
        %parallel_loop3A_66 = arith.index_cast %parallel_loop3A_64 : i32 to index
        %parallel_loop3A_67 = tpu.vector_load %arg6[%parallel_loop3A_65, %parallel_loop3A_66] {strides = array<i32>} : memref<20x512xi32, #tpu.memory_space<vmem>>, vector<16xi32>,
        %parallel_loop3A_68 = arith.constant 8 : i32
        %parallel_loop3A_69 = arith.divsi %parallel_loop3A_62, %parallel_loop3A_68 : i32
        %parallel_loop3A_70 = arith.constant 0 : i32
        %parallel_loop3A_71 = arith.cmpi sgt, %parallel_loop3A_62, %parallel_loop3A_70 : i32
        %parallel_loop3A_72 = arith.extui %parallel_loop3A_71 : i1 to i32
        %parallel_loop3A_73 = arith.constant 0 : i32
        %parallel_loop3A_74 = arith.cmpi slt, %parallel_loop3A_62, %parallel_loop3A_73 : i32
        %parallel_loop3A_75 = arith.extui %parallel_loop3A_74 : i1 to i32
        %parallel_loop3A_76 = arith.subi %parallel_loop3A_72, %parallel_loop3A_75 : i32
        %parallel_loop3A_77 = arith.constant 0 : i32
        %parallel_loop3A_78 = arith.cmpi sgt, %parallel_loop3A_68, %parallel_loop3A_77 : i32
        %parallel_loop3A_79 = arith.extui %parallel_loop3A_78 : i1 to i32
        %parallel_loop3A_80 = arith.constant 0 : i32
        %parallel_loop3A_81 = arith.cmpi slt, %parallel_loop3A_68, %parallel_loop3A_80 : i32
        %parallel_loop3A_82 = arith.extui %parallel_loop3A_81 : i1 to i32
        %parallel_loop3A_83 = arith.subi %parallel_loop3A_79, %parallel_loop3A_82 : i32
        %parallel_loop3A_84 = arith.cmpi ne, %parallel_loop3A_76, %parallel_loop3A_83 : i32
        %parallel_loop3A_85 = arith.remsi %parallel_loop3A_62, %parallel_loop3A_68 : i32
        %parallel_loop3A_86 = arith.constant 0 : i32
        %parallel_loop3A_87 = arith.cmpi ne, %parallel_loop3A_85, %parallel_loop3A_86 : i32
        %parallel_loop3A_88 = arith.andi %parallel_loop3A_84, %parallel_loop3A_87 : i1
        %parallel_loop3A_89 = arith.constant 1 : i32
        %parallel_loop3A_90 = arith.subi %parallel_loop3A_69, %parallel_loop3A_89 : i32
        %parallel_loop3A_91 = arith.select %parallel_loop3A_88, %parallel_loop3A_90, %parallel_loop3A_69 : i32
        %parallel_loop3A_92 = arith.constant 1024 : i32
        %parallel_loop3A_93 = arith.muli %parallel_loop3A_91, %parallel_loop3A_92 : i32
        %parallel_loop3A_94 = arith.constant 8 : i32
        %parallel_loop3A_95 = arith.constant 0 : i32
        %parallel_loop3A_96 = arith.cmpi eq, %parallel_loop3A_94, %parallel_loop3A_95 : i32
        %parallel_loop3A_97 = arith.constant 1 : i32
        %parallel_loop3A_98 = arith.select %parallel_loop3A_96, %parallel_loop3A_97, %parallel_loop3A_94 : i32
        %parallel_loop3A_99 = arith.remsi %parallel_loop3A_62, %parallel_loop3A_98 : i32
        %parallel_loop3A_100 = arith.constant 0 : i32
        %parallel_loop3A_101 = arith.cmpi ne, %parallel_loop3A_99, %parallel_loop3A_100 : i32
        %parallel_loop3A_102 = arith.constant 0 : i32
        %parallel_loop3A_103 = arith.cmpi slt, %parallel_loop3A_99, %parallel_loop3A_102 : i32
        %parallel_loop3A_104 = arith.constant 0 : i32
        %parallel_loop3A_105 = arith.cmpi slt, %parallel_loop3A_98, %parallel_loop3A_104 : i32
        %parallel_loop3A_106 = arith.xori %parallel_loop3A_103, %parallel_loop3A_105 : i1
        %parallel_loop3A_107 = arith.andi %parallel_loop3A_106, %parallel_loop3A_101 : i1
        %parallel_loop3A_108 = arith.addi %parallel_loop3A_99, %parallel_loop3A_98 : i32
        %parallel_loop3A_109 = arith.select %parallel_loop3A_107, %parallel_loop3A_108, %parallel_loop3A_99 : i32
        %parallel_loop3A_110 = arith.constant 16 : i32
        %parallel_loop3A_111 = arith.muli %parallel_loop3A_109, %parallel_loop3A_110 : i32
        %parallel_loop3A_112 = arith.addi %parallel_loop3A_93, %parallel_loop3A_111 : i32
        %parallel_loop3A_113 = arith.constant 0 : i32
        %parallel_loop3A_114 = vector.broadcast %parallel_loop3A_113 : i32 to vector<16xi32>
        %parallel_loop3A_115 = arith.addi %parallel_loop3A_67, %parallel_loop3A_114 : vector<16xi32>
        %parallel_loop3A_116 = tpu.vector_load_idx %arg5[%parallel_loop3A_115] : memref<1680xf32, #tpu.memory_space<vmem>>[vector<16xi32>], vector<16xf32>,
        %parallel_loop3A_117 = arith.constant 70 : i32
        %parallel_loop3A_118 = vector.broadcast %parallel_loop3A_117 : i32 to vector<16xi32>
        %parallel_loop3A_119 = arith.addi %parallel_loop3A_67, %parallel_loop3A_118 : vector<16xi32>
        %parallel_loop3A_120 = tpu.vector_load_idx %arg5[%parallel_loop3A_119] : memref<1680xf32, #tpu.memory_space<vmem>>[vector<16xi32>], vector<16xf32>,
        %parallel_loop3A_121 = arith.constant 140 : i32
        %parallel_loop3A_122 = vector.broadcast %parallel_loop3A_121 : i32 to vector<16xi32>
        %parallel_loop3A_123 = arith.addi %parallel_loop3A_67, %parallel_loop3A_122 : vector<16xi32>
        %parallel_loop3A_124 = tpu.vector_load_idx %arg5[%parallel_loop3A_123] : memref<1680xf32, #tpu.memory_space<vmem>>[vector<16xi32>], vector<16xf32>,
        %parallel_loop3A_125 = arith.constant 210 : i32
        %parallel_loop3A_126 = vector.broadcast %parallel_loop3A_125 : i32 to vector<16xi32>
        %parallel_loop3A_127 = arith.addi %parallel_loop3A_67, %parallel_loop3A_126 : vector<16xi32>
        %parallel_loop3A_128 = tpu.vector_load_idx %arg5[%parallel_loop3A_127] : memref<1680xf32, #tpu.memory_space<vmem>>[vector<16xi32>], vector<16xf32>,
        %parallel_loop3A_129 = arith.constant 280 : i32
        %parallel_loop3A_130 = vector.broadcast %parallel_loop3A_129 : i32 to vector<16xi32>
        %parallel_loop3A_131 = arith.addi %parallel_loop3A_67, %parallel_loop3A_130 : vector<16xi32>
        %parallel_loop3A_132 = tpu.vector_load_idx %arg5[%parallel_loop3A_131] : memref<1680xf32, #tpu.memory_space<vmem>>[vector<16xi32>], vector<16xf32>,
        %parallel_loop3A_133 = arith.constant 350 : i32
        %parallel_loop3A_134 = vector.broadcast %parallel_loop3A_133 : i32 to vector<16xi32>
        %parallel_loop3A_135 = arith.addi %parallel_loop3A_67, %parallel_loop3A_134 : vector<16xi32>
        %parallel_loop3A_136 = tpu.vector_load_idx %arg5[%parallel_loop3A_135] : memref<1680xf32, #tpu.memory_space<vmem>>[vector<16xi32>], vector<16xf32>,
        %parallel_loop3A_137 = arith.constant 420 : i32
        %parallel_loop3A_138 = vector.broadcast %parallel_loop3A_137 : i32 to vector<16xi32>
        %parallel_loop3A_139 = arith.addi %parallel_loop3A_67, %parallel_loop3A_138 : vector<16xi32>
        %parallel_loop3A_140 = tpu.vector_load_idx %arg5[%parallel_loop3A_139] : memref<1680xf32, #tpu.memory_space<vmem>>[vector<16xi32>], vector<16xf32>,
        %parallel_loop3A_141 = arith.constant 490 : i32
        %parallel_loop3A_142 = vector.broadcast %parallel_loop3A_141 : i32 to vector<16xi32>
        %parallel_loop3A_143 = arith.addi %parallel_loop3A_67, %parallel_loop3A_142 : vector<16xi32>
        %parallel_loop3A_144 = tpu.vector_load_idx %arg5[%parallel_loop3A_143] : memref<1680xf32, #tpu.memory_space<vmem>>[vector<16xi32>], vector<16xf32>,
        %parallel_loop3A_145 = arith.constant 560 : i32
        %parallel_loop3A_146 = vector.broadcast %parallel_loop3A_145 : i32 to vector<16xi32>
        %parallel_loop3A_147 = arith.addi %parallel_loop3A_67, %parallel_loop3A_146 : vector<16xi32>
        %parallel_loop3A_148 = tpu.vector_load_idx %arg5[%parallel_loop3A_147] : memref<1680xf32, #tpu.memory_space<vmem>>[vector<16xi32>], vector<16xf32>,
        %parallel_loop3A_149 = arith.constant 630 : i32
        %parallel_loop3A_150 = vector.broadcast %parallel_loop3A_149 : i32 to vector<16xi32>
        %parallel_loop3A_151 = arith.addi %parallel_loop3A_67, %parallel_loop3A_150 : vector<16xi32>
        %parallel_loop3A_152 = tpu.vector_load_idx %arg5[%parallel_loop3A_151] : memref<1680xf32, #tpu.memory_space<vmem>>[vector<16xi32>], vector<16xf32>,
        %parallel_loop3A_153 = arith.constant 700 : i32
        %parallel_loop3A_154 = vector.broadcast %parallel_loop3A_153 : i32 to vector<16xi32>
        %parallel_loop3A_155 = arith.addi %parallel_loop3A_67, %parallel_loop3A_154 : vector<16xi32>
        %parallel_loop3A_156 = tpu.vector_load_idx %arg5[%parallel_loop3A_155] : memref<1680xf32, #tpu.memory_space<vmem>>[vector<16xi32>], vector<16xf32>,
        %parallel_loop3A_157 = arith.constant 770 : i32
        %parallel_loop3A_158 = vector.broadcast %parallel_loop3A_157 : i32 to vector<16xi32>
        %parallel_loop3A_159 = arith.addi %parallel_loop3A_67, %parallel_loop3A_158 : vector<16xi32>
        %parallel_loop3A_160 = tpu.vector_load_idx %arg5[%parallel_loop3A_159] : memref<1680xf32, #tpu.memory_space<vmem>>[vector<16xi32>], vector<16xf32>,
        %parallel_loop3A_161 = arith.constant 840 : i32
        %parallel_loop3A_162 = vector.broadcast %parallel_loop3A_161 : i32 to vector<16xi32>
        %parallel_loop3A_163 = arith.addi %parallel_loop3A_67, %parallel_loop3A_162 : vector<16xi32>
        %parallel_loop3A_164 = tpu.vector_load_idx %arg5[%parallel_loop3A_163] : memref<1680xf32, #tpu.memory_space<vmem>>[vector<16xi32>], vector<16xf32>,
        %parallel_loop3A_165 = arith.constant 910 : i32
        %parallel_loop3A_166 = vector.broadcast %parallel_loop3A_165 : i32 to vector<16xi32>
        %parallel_loop3A_167 = arith.addi %parallel_loop3A_67, %parallel_loop3A_166 : vector<16xi32>
        %parallel_loop3A_168 = tpu.vector_load_idx %arg5[%parallel_loop3A_167] : memref<1680xf32, #tpu.memory_space<vmem>>[vector<16xi32>], vector<16xf32>,
        %parallel_loop3A_169 = arith.constant 980 : i32
        %parallel_loop3A_170 = vector.broadcast %parallel_loop3A_169 : i32 to vector<16xi32>
        %parallel_loop3A_171 = arith.addi %parallel_loop3A_67, %parallel_loop3A_170 : vector<16xi32>
        %parallel_loop3A_172 = tpu.vector_load_idx %arg5[%parallel_loop3A_171] : memref<1680xf32, #tpu.memory_space<vmem>>[vector<16xi32>], vector<16xf32>,
        %parallel_loop3A_173 = arith.constant 1050 : i32
        %parallel_loop3A_174 = vector.broadcast %parallel_loop3A_173 : i32 to vector<16xi32>
        %parallel_loop3A_175 = arith.addi %parallel_loop3A_67, %parallel_loop3A_174 : vector<16xi32>
        %parallel_loop3A_176 = tpu.vector_load_idx %arg5[%parallel_loop3A_175] : memref<1680xf32, #tpu.memory_space<vmem>>[vector<16xi32>], vector<16xf32>,
        %parallel_loop3A_177 = arith.constant 1120 : i32
        %parallel_loop3A_178 = vector.broadcast %parallel_loop3A_177 : i32 to vector<16xi32>
        %parallel_loop3A_179 = arith.addi %parallel_loop3A_67, %parallel_loop3A_178 : vector<16xi32>
        %parallel_loop3A_180 = tpu.vector_load_idx %arg5[%parallel_loop3A_179] : memref<1680xf32, #tpu.memory_space<vmem>>[vector<16xi32>], vector<16xf32>,
        %parallel_loop3A_181 = arith.constant 1190 : i32
        %parallel_loop3A_182 = vector.broadcast %parallel_loop3A_181 : i32 to vector<16xi32>
        %parallel_loop3A_183 = arith.addi %parallel_loop3A_67, %parallel_loop3A_182 : vector<16xi32>
        %parallel_loop3A_184 = tpu.vector_load_idx %arg5[%parallel_loop3A_183] : memref<1680xf32, #tpu.memory_space<vmem>>[vector<16xi32>], vector<16xf32>,
        %parallel_loop3A_185 = arith.constant 1260 : i32
        %parallel_loop3A_186 = vector.broadcast %parallel_loop3A_185 : i32 to vector<16xi32>
        %parallel_loop3A_187 = arith.addi %parallel_loop3A_67, %parallel_loop3A_186 : vector<16xi32>
        %parallel_loop3A_188 = tpu.vector_load_idx %arg5[%parallel_loop3A_187] : memref<1680xf32, #tpu.memory_space<vmem>>[vector<16xi32>], vector<16xf32>,
        %parallel_loop3A_189 = arith.constant 1330 : i32
        %parallel_loop3A_190 = vector.broadcast %parallel_loop3A_189 : i32 to vector<16xi32>
        %parallel_loop3A_191 = arith.addi %parallel_loop3A_67, %parallel_loop3A_190 : vector<16xi32>
        %parallel_loop3A_192 = tpu.vector_load_idx %arg5[%parallel_loop3A_191] : memref<1680xf32, #tpu.memory_space<vmem>>[vector<16xi32>], vector<16xf32>,
        %parallel_loop3A_193 = arith.constant 1400 : i32
        %parallel_loop3A_194 = vector.broadcast %parallel_loop3A_193 : i32 to vector<16xi32>
        %parallel_loop3A_195 = arith.addi %parallel_loop3A_67, %parallel_loop3A_194 : vector<16xi32>
        %parallel_loop3A_196 = tpu.vector_load_idx %arg5[%parallel_loop3A_195] : memref<1680xf32, #tpu.memory_space<vmem>>[vector<16xi32>], vector<16xf32>,
        %parallel_loop3A_197 = arith.constant 1470 : i32
        %parallel_loop3A_198 = vector.broadcast %parallel_loop3A_197 : i32 to vector<16xi32>
        %parallel_loop3A_199 = arith.addi %parallel_loop3A_67, %parallel_loop3A_198 : vector<16xi32>
        %parallel_loop3A_200 = tpu.vector_load_idx %arg5[%parallel_loop3A_199] : memref<1680xf32, #tpu.memory_space<vmem>>[vector<16xi32>], vector<16xf32>,
        %parallel_loop3A_201 = arith.constant 1540 : i32
        %parallel_loop3A_202 = vector.broadcast %parallel_loop3A_201 : i32 to vector<16xi32>
        %parallel_loop3A_203 = arith.addi %parallel_loop3A_67, %parallel_loop3A_202 : vector<16xi32>
        %parallel_loop3A_204 = tpu.vector_load_idx %arg5[%parallel_loop3A_203] : memref<1680xf32, #tpu.memory_space<vmem>>[vector<16xi32>], vector<16xf32>,
        %parallel_loop3A_205 = arith.constant 1610 : i32
        %parallel_loop3A_206 = vector.broadcast %parallel_loop3A_205 : i32 to vector<16xi32>
        %parallel_loop3A_207 = arith.addi %parallel_loop3A_67, %parallel_loop3A_206 : vector<16xi32>
        %parallel_loop3A_208 = tpu.vector_load_idx %arg5[%parallel_loop3A_207] : memref<1680xf32, #tpu.memory_space<vmem>>[vector<16xi32>], vector<16xf32>,
        %parallel_loop3A_209 = arith.constant 0 : i32
        %parallel_loop3A_210 = arith.addi %parallel_loop3A_112, %parallel_loop3A_209 : i32
        %parallel_loop3A_211 = arith.constant 0 : i32
        %parallel_loop3A_212 = arith.index_cast %parallel_loop3A_211 : i32 to index
        %parallel_loop3A_213 = arith.index_cast %parallel_loop3A_210 : i32 to index
        %parallel_loop3A_214 = tpu.vector_load %arg8[%parallel_loop3A_212, %parallel_loop3A_213] {strides = array<i32>} : memref<3x4096xf32, #tpu.memory_space<vmem>>, vector<16xf32>,
        tpu.vector_store %arg8[%parallel_loop3A_212, %parallel_loop3A_213], %parallel_loop3A_116 {strides = array<i32>} : memref<3x4096xf32, #tpu.memory_space<vmem>>, vector<16xf32>,
        %parallel_loop3A_215 = arith.constant 128 : i32
        %parallel_loop3A_216 = arith.addi %parallel_loop3A_112, %parallel_loop3A_215 : i32
        %parallel_loop3A_217 = arith.constant 0 : i32
        %parallel_loop3A_218 = arith.index_cast %parallel_loop3A_217 : i32 to index
        %parallel_loop3A_219 = arith.index_cast %parallel_loop3A_216 : i32 to index
        %parallel_loop3A_220 = tpu.vector_load %arg8[%parallel_loop3A_218, %parallel_loop3A_219] {strides = array<i32>} : memref<3x4096xf32, #tpu.memory_space<vmem>>, vector<16xf32>,
        tpu.vector_store %arg8[%parallel_loop3A_218, %parallel_loop3A_219], %parallel_loop3A_120 {strides = array<i32>} : memref<3x4096xf32, #tpu.memory_space<vmem>>, vector<16xf32>,
        %parallel_loop3A_221 = arith.constant 256 : i32
        %parallel_loop3A_222 = arith.addi %parallel_loop3A_112, %parallel_loop3A_221 : i32
        %parallel_loop3A_223 = arith.constant 0 : i32
        %parallel_loop3A_224 = arith.index_cast %parallel_loop3A_223 : i32 to index
        %parallel_loop3A_225 = arith.index_cast %parallel_loop3A_222 : i32 to index
        %parallel_loop3A_226 = tpu.vector_load %arg8[%parallel_loop3A_224, %parallel_loop3A_225] {strides = array<i32>} : memref<3x4096xf32, #tpu.memory_space<vmem>>, vector<16xf32>,
        tpu.vector_store %arg8[%parallel_loop3A_224, %parallel_loop3A_225], %parallel_loop3A_124 {strides = array<i32>} : memref<3x4096xf32, #tpu.memory_space<vmem>>, vector<16xf32>,
        %parallel_loop3A_227 = arith.constant 384 : i32
        %parallel_loop3A_228 = arith.addi %parallel_loop3A_112, %parallel_loop3A_227 : i32
        %parallel_loop3A_229 = arith.constant 0 : i32
        %parallel_loop3A_230 = arith.index_cast %parallel_loop3A_229 : i32 to index
        %parallel_loop3A_231 = arith.index_cast %parallel_loop3A_228 : i32 to index
        %parallel_loop3A_232 = tpu.vector_load %arg8[%parallel_loop3A_230, %parallel_loop3A_231] {strides = array<i32>} : memref<3x4096xf32, #tpu.memory_space<vmem>>, vector<16xf32>,
        tpu.vector_store %arg8[%parallel_loop3A_230, %parallel_loop3A_231], %parallel_loop3A_128 {strides = array<i32>} : memref<3x4096xf32, #tpu.memory_space<vmem>>, vector<16xf32>,
        %parallel_loop3A_233 = arith.constant 512 : i32
        %parallel_loop3A_234 = arith.addi %parallel_loop3A_112, %parallel_loop3A_233 : i32
        %parallel_loop3A_235 = arith.constant 0 : i32
        %parallel_loop3A_236 = arith.index_cast %parallel_loop3A_235 : i32 to index
        %parallel_loop3A_237 = arith.index_cast %parallel_loop3A_234 : i32 to index
        %parallel_loop3A_238 = tpu.vector_load %arg8[%parallel_loop3A_236, %parallel_loop3A_237] {strides = array<i32>} : memref<3x4096xf32, #tpu.memory_space<vmem>>, vector<16xf32>,
        tpu.vector_store %arg8[%parallel_loop3A_236, %parallel_loop3A_237], %parallel_loop3A_132 {strides = array<i32>} : memref<3x4096xf32, #tpu.memory_space<vmem>>, vector<16xf32>,
        %parallel_loop3A_239 = arith.constant 640 : i32
        %parallel_loop3A_240 = arith.addi %parallel_loop3A_112, %parallel_loop3A_239 : i32
        %parallel_loop3A_241 = arith.constant 0 : i32
        %parallel_loop3A_242 = arith.index_cast %parallel_loop3A_241 : i32 to index
        %parallel_loop3A_243 = arith.index_cast %parallel_loop3A_240 : i32 to index
        %parallel_loop3A_244 = tpu.vector_load %arg8[%parallel_loop3A_242, %parallel_loop3A_243] {strides = array<i32>} : memref<3x4096xf32, #tpu.memory_space<vmem>>, vector<16xf32>,
        tpu.vector_store %arg8[%parallel_loop3A_242, %parallel_loop3A_243], %parallel_loop3A_136 {strides = array<i32>} : memref<3x4096xf32, #tpu.memory_space<vmem>>, vector<16xf32>,
        %parallel_loop3A_245 = arith.constant 768 : i32
        %parallel_loop3A_246 = arith.addi %parallel_loop3A_112, %parallel_loop3A_245 : i32
        %parallel_loop3A_247 = arith.constant 0 : i32
        %parallel_loop3A_248 = arith.index_cast %parallel_loop3A_247 : i32 to index
        %parallel_loop3A_249 = arith.index_cast %parallel_loop3A_246 : i32 to index
        %parallel_loop3A_250 = tpu.vector_load %arg8[%parallel_loop3A_248, %parallel_loop3A_249] {strides = array<i32>} : memref<3x4096xf32, #tpu.memory_space<vmem>>, vector<16xf32>,
        tpu.vector_store %arg8[%parallel_loop3A_248, %parallel_loop3A_249], %parallel_loop3A_140 {strides = array<i32>} : memref<3x4096xf32, #tpu.memory_space<vmem>>, vector<16xf32>,
        %parallel_loop3A_251 = arith.constant 896 : i32
        %parallel_loop3A_252 = arith.addi %parallel_loop3A_112, %parallel_loop3A_251 : i32
        %parallel_loop3A_253 = arith.constant 0 : i32
        %parallel_loop3A_254 = arith.index_cast %parallel_loop3A_253 : i32 to index
        %parallel_loop3A_255 = arith.index_cast %parallel_loop3A_252 : i32 to index
        %parallel_loop3A_256 = tpu.vector_load %arg8[%parallel_loop3A_254, %parallel_loop3A_255] {strides = array<i32>} : memref<3x4096xf32, #tpu.memory_space<vmem>>, vector<16xf32>,
        tpu.vector_store %arg8[%parallel_loop3A_254, %parallel_loop3A_255], %parallel_loop3A_144 {strides = array<i32>} : memref<3x4096xf32, #tpu.memory_space<vmem>>, vector<16xf32>,
        %parallel_loop3A_257 = arith.constant 0 : i32
        %parallel_loop3A_258 = arith.addi %parallel_loop3A_112, %parallel_loop3A_257 : i32
        %parallel_loop3A_259 = arith.constant 1 : i32
        %parallel_loop3A_260 = arith.index_cast %parallel_loop3A_259 : i32 to index
        %parallel_loop3A_261 = arith.index_cast %parallel_loop3A_258 : i32 to index
        %parallel_loop3A_262 = tpu.vector_load %arg8[%parallel_loop3A_260, %parallel_loop3A_261] {strides = array<i32>} : memref<3x4096xf32, #tpu.memory_space<vmem>>, vector<16xf32>,
        tpu.vector_store %arg8[%parallel_loop3A_260, %parallel_loop3A_261], %parallel_loop3A_148 {strides = array<i32>} : memref<3x4096xf32, #tpu.memory_space<vmem>>, vector<16xf32>,
        %parallel_loop3A_263 = arith.constant 128 : i32
        %parallel_loop3A_264 = arith.addi %parallel_loop3A_112, %parallel_loop3A_263 : i32
        %parallel_loop3A_265 = arith.constant 1 : i32
        %parallel_loop3A_266 = arith.index_cast %parallel_loop3A_265 : i32 to index
        %parallel_loop3A_267 = arith.index_cast %parallel_loop3A_264 : i32 to index
        %parallel_loop3A_268 = tpu.vector_load %arg8[%parallel_loop3A_266, %parallel_loop3A_267] {strides = array<i32>} : memref<3x4096xf32, #tpu.memory_space<vmem>>, vector<16xf32>,
        tpu.vector_store %arg8[%parallel_loop3A_266, %parallel_loop3A_267], %parallel_loop3A_152 {strides = array<i32>} : memref<3x4096xf32, #tpu.memory_space<vmem>>, vector<16xf32>,
        %parallel_loop3A_269 = arith.constant 256 : i32
        %parallel_loop3A_270 = arith.addi %parallel_loop3A_112, %parallel_loop3A_269 : i32
        %parallel_loop3A_271 = arith.constant 1 : i32
        %parallel_loop3A_272 = arith.index_cast %parallel_loop3A_271 : i32 to index
        %parallel_loop3A_273 = arith.index_cast %parallel_loop3A_270 : i32 to index
        %parallel_loop3A_274 = tpu.vector_load %arg8[%parallel_loop3A_272, %parallel_loop3A_273] {strides = array<i32>} : memref<3x4096xf32, #tpu.memory_space<vmem>>, vector<16xf32>,
        tpu.vector_store %arg8[%parallel_loop3A_272, %parallel_loop3A_273], %parallel_loop3A_156 {strides = array<i32>} : memref<3x4096xf32, #tpu.memory_space<vmem>>, vector<16xf32>,
        %parallel_loop3A_275 = arith.constant 384 : i32
        %parallel_loop3A_276 = arith.addi %parallel_loop3A_112, %parallel_loop3A_275 : i32
        %parallel_loop3A_277 = arith.constant 1 : i32
        %parallel_loop3A_278 = arith.index_cast %parallel_loop3A_277 : i32 to index
        %parallel_loop3A_279 = arith.index_cast %parallel_loop3A_276 : i32 to index
        %parallel_loop3A_280 = tpu.vector_load %arg8[%parallel_loop3A_278, %parallel_loop3A_279] {strides = array<i32>} : memref<3x4096xf32, #tpu.memory_space<vmem>>, vector<16xf32>,
        tpu.vector_store %arg8[%parallel_loop3A_278, %parallel_loop3A_279], %parallel_loop3A_160 {strides = array<i32>} : memref<3x4096xf32, #tpu.memory_space<vmem>>, vector<16xf32>,
        %parallel_loop3A_281 = arith.constant 512 : i32
        %parallel_loop3A_282 = arith.addi %parallel_loop3A_112, %parallel_loop3A_281 : i32
        %parallel_loop3A_283 = arith.constant 1 : i32
        %parallel_loop3A_284 = arith.index_cast %parallel_loop3A_283 : i32 to index
        %parallel_loop3A_285 = arith.index_cast %parallel_loop3A_282 : i32 to index
        %parallel_loop3A_286 = tpu.vector_load %arg8[%parallel_loop3A_284, %parallel_loop3A_285] {strides = array<i32>} : memref<3x4096xf32, #tpu.memory_space<vmem>>, vector<16xf32>,
        tpu.vector_store %arg8[%parallel_loop3A_284, %parallel_loop3A_285], %parallel_loop3A_164 {strides = array<i32>} : memref<3x4096xf32, #tpu.memory_space<vmem>>, vector<16xf32>,
        %parallel_loop3A_287 = arith.constant 640 : i32
        %parallel_loop3A_288 = arith.addi %parallel_loop3A_112, %parallel_loop3A_287 : i32
        %parallel_loop3A_289 = arith.constant 1 : i32
        %parallel_loop3A_290 = arith.index_cast %parallel_loop3A_289 : i32 to index
        %parallel_loop3A_291 = arith.index_cast %parallel_loop3A_288 : i32 to index
        %parallel_loop3A_292 = tpu.vector_load %arg8[%parallel_loop3A_290, %parallel_loop3A_291] {strides = array<i32>} : memref<3x4096xf32, #tpu.memory_space<vmem>>, vector<16xf32>,
        tpu.vector_store %arg8[%parallel_loop3A_290, %parallel_loop3A_291], %parallel_loop3A_168 {strides = array<i32>} : memref<3x4096xf32, #tpu.memory_space<vmem>>, vector<16xf32>,
        %parallel_loop3A_293 = arith.constant 768 : i32
        %parallel_loop3A_294 = arith.addi %parallel_loop3A_112, %parallel_loop3A_293 : i32
        %parallel_loop3A_295 = arith.constant 1 : i32
        %parallel_loop3A_296 = arith.index_cast %parallel_loop3A_295 : i32 to index
        %parallel_loop3A_297 = arith.index_cast %parallel_loop3A_294 : i32 to index
        %parallel_loop3A_298 = tpu.vector_load %arg8[%parallel_loop3A_296, %parallel_loop3A_297] {strides = array<i32>} : memref<3x4096xf32, #tpu.memory_space<vmem>>, vector<16xf32>,
        tpu.vector_store %arg8[%parallel_loop3A_296, %parallel_loop3A_297], %parallel_loop3A_172 {strides = array<i32>} : memref<3x4096xf32, #tpu.memory_space<vmem>>, vector<16xf32>,
        %parallel_loop3A_299 = arith.constant 896 : i32
        %parallel_loop3A_300 = arith.addi %parallel_loop3A_112, %parallel_loop3A_299 : i32
        %parallel_loop3A_301 = arith.constant 1 : i32
        %parallel_loop3A_302 = arith.index_cast %parallel_loop3A_301 : i32 to index
        %parallel_loop3A_303 = arith.index_cast %parallel_loop3A_300 : i32 to index
        %parallel_loop3A_304 = tpu.vector_load %arg8[%parallel_loop3A_302, %parallel_loop3A_303] {strides = array<i32>} : memref<3x4096xf32, #tpu.memory_space<vmem>>, vector<16xf32>,
        tpu.vector_store %arg8[%parallel_loop3A_302, %parallel_loop3A_303], %parallel_loop3A_176 {strides = array<i32>} : memref<3x4096xf32, #tpu.memory_space<vmem>>, vector<16xf32>,
        %parallel_loop3A_305 = arith.constant 0 : i32
        %parallel_loop3A_306 = arith.addi %parallel_loop3A_112, %parallel_loop3A_305 : i32
        %parallel_loop3A_307 = arith.constant 2 : i32
        %parallel_loop3A_308 = arith.index_cast %parallel_loop3A_307 : i32 to index
        %parallel_loop3A_309 = arith.index_cast %parallel_loop3A_306 : i32 to index
        %parallel_loop3A_310 = tpu.vector_load %arg8[%parallel_loop3A_308, %parallel_loop3A_309] {strides = array<i32>} : memref<3x4096xf32, #tpu.memory_space<vmem>>, vector<16xf32>,
        tpu.vector_store %arg8[%parallel_loop3A_308, %parallel_loop3A_309], %parallel_loop3A_180 {strides = array<i32>} : memref<3x4096xf32, #tpu.memory_space<vmem>>, vector<16xf32>,
        %parallel_loop3A_311 = arith.constant 128 : i32
        %parallel_loop3A_312 = arith.addi %parallel_loop3A_112, %parallel_loop3A_311 : i32
        %parallel_loop3A_313 = arith.constant 2 : i32
        %parallel_loop3A_314 = arith.index_cast %parallel_loop3A_313 : i32 to index
        %parallel_loop3A_315 = arith.index_cast %parallel_loop3A_312 : i32 to index
        %parallel_loop3A_316 = tpu.vector_load %arg8[%parallel_loop3A_314, %parallel_loop3A_315] {strides = array<i32>} : memref<3x4096xf32, #tpu.memory_space<vmem>>, vector<16xf32>,
        tpu.vector_store %arg8[%parallel_loop3A_314, %parallel_loop3A_315], %parallel_loop3A_184 {strides = array<i32>} : memref<3x4096xf32, #tpu.memory_space<vmem>>, vector<16xf32>,
        %parallel_loop3A_317 = arith.constant 256 : i32
        %parallel_loop3A_318 = arith.addi %parallel_loop3A_112, %parallel_loop3A_317 : i32
        %parallel_loop3A_319 = arith.constant 2 : i32
        %parallel_loop3A_320 = arith.index_cast %parallel_loop3A_319 : i32 to index
        %parallel_loop3A_321 = arith.index_cast %parallel_loop3A_318 : i32 to index
        %parallel_loop3A_322 = tpu.vector_load %arg8[%parallel_loop3A_320, %parallel_loop3A_321] {strides = array<i32>} : memref<3x4096xf32, #tpu.memory_space<vmem>>, vector<16xf32>,
        tpu.vector_store %arg8[%parallel_loop3A_320, %parallel_loop3A_321], %parallel_loop3A_188 {strides = array<i32>} : memref<3x4096xf32, #tpu.memory_space<vmem>>, vector<16xf32>,
        %parallel_loop3A_323 = arith.constant 384 : i32
        %parallel_loop3A_324 = arith.addi %parallel_loop3A_112, %parallel_loop3A_323 : i32
        %parallel_loop3A_325 = arith.constant 2 : i32
        %parallel_loop3A_326 = arith.index_cast %parallel_loop3A_325 : i32 to index
        %parallel_loop3A_327 = arith.index_cast %parallel_loop3A_324 : i32 to index
        %parallel_loop3A_328 = tpu.vector_load %arg8[%parallel_loop3A_326, %parallel_loop3A_327] {strides = array<i32>} : memref<3x4096xf32, #tpu.memory_space<vmem>>, vector<16xf32>,
        tpu.vector_store %arg8[%parallel_loop3A_326, %parallel_loop3A_327], %parallel_loop3A_192 {strides = array<i32>} : memref<3x4096xf32, #tpu.memory_space<vmem>>, vector<16xf32>,
        %parallel_loop3A_329 = arith.constant 512 : i32
        %parallel_loop3A_330 = arith.addi %parallel_loop3A_112, %parallel_loop3A_329 : i32
        %parallel_loop3A_331 = arith.constant 2 : i32
        %parallel_loop3A_332 = arith.index_cast %parallel_loop3A_331 : i32 to index
        %parallel_loop3A_333 = arith.index_cast %parallel_loop3A_330 : i32 to index
        %parallel_loop3A_334 = tpu.vector_load %arg8[%parallel_loop3A_332, %parallel_loop3A_333] {strides = array<i32>} : memref<3x4096xf32, #tpu.memory_space<vmem>>, vector<16xf32>,
        tpu.vector_store %arg8[%parallel_loop3A_332, %parallel_loop3A_333], %parallel_loop3A_196 {strides = array<i32>} : memref<3x4096xf32, #tpu.memory_space<vmem>>, vector<16xf32>,
        %parallel_loop3A_335 = arith.constant 640 : i32
        %parallel_loop3A_336 = arith.addi %parallel_loop3A_112, %parallel_loop3A_335 : i32
        %parallel_loop3A_337 = arith.constant 2 : i32
        %parallel_loop3A_338 = arith.index_cast %parallel_loop3A_337 : i32 to index
        %parallel_loop3A_339 = arith.index_cast %parallel_loop3A_336 : i32 to index
        %parallel_loop3A_340 = tpu.vector_load %arg8[%parallel_loop3A_338, %parallel_loop3A_339] {strides = array<i32>} : memref<3x4096xf32, #tpu.memory_space<vmem>>, vector<16xf32>,
        tpu.vector_store %arg8[%parallel_loop3A_338, %parallel_loop3A_339], %parallel_loop3A_200 {strides = array<i32>} : memref<3x4096xf32, #tpu.memory_space<vmem>>, vector<16xf32>,
        %parallel_loop3A_341 = arith.constant 768 : i32
        %parallel_loop3A_342 = arith.addi %parallel_loop3A_112, %parallel_loop3A_341 : i32
        %parallel_loop3A_343 = arith.constant 2 : i32
        %parallel_loop3A_344 = arith.index_cast %parallel_loop3A_343 : i32 to index
        %parallel_loop3A_345 = arith.index_cast %parallel_loop3A_342 : i32 to index
        %parallel_loop3A_346 = tpu.vector_load %arg8[%parallel_loop3A_344, %parallel_loop3A_345] {strides = array<i32>} : memref<3x4096xf32, #tpu.memory_space<vmem>>, vector<16xf32>,
        tpu.vector_store %arg8[%parallel_loop3A_344, %parallel_loop3A_345], %parallel_loop3A_204 {strides = array<i32>} : memref<3x4096xf32, #tpu.memory_space<vmem>>, vector<16xf32>,
        %parallel_loop3A_347 = arith.constant 896 : i32
        %parallel_loop3A_348 = arith.addi %parallel_loop3A_112, %parallel_loop3A_347 : i32
        %parallel_loop3A_349 = arith.constant 2 : i32
        %parallel_loop3A_350 = arith.index_cast %parallel_loop3A_349 : i32 to index
        %parallel_loop3A_351 = arith.index_cast %parallel_loop3A_348 : i32 to index
        %parallel_loop3A_352 = tpu.vector_load %arg8[%parallel_loop3A_350, %parallel_loop3A_351] {strides = array<i32>} : memref<3x4096xf32, #tpu.memory_space<vmem>>, vector<16xf32>,
        tpu.vector_store %arg8[%parallel_loop3A_350, %parallel_loop3A_351], %parallel_loop3A_208 {strides = array<i32>} : memref<3x4096xf32, #tpu.memory_space<vmem>>, vector<16xf32>,
      } {sc.loop_unroll_factor = 2 : i64, sc.parallel_access}
      %mul3A_54 = arith.constant 4096 : i32
      %mul3A_55 = arith.muli %add3A, %mul3A_54 : i32
      %dma_start3A_56 = arith.constant 0 : i32
      %dma_start3A_57 = tpu.memref_slice %arg4[%add3A_43, %dma_start3A_56, %mul3A_55] : memref<20x3x131072xf32, #tpu.memory_space<hbm>> -> memref<1x3x4096xf32, #tpu.memory_space<hbm>>
      %dma_start3A_58 = tpu.memref_squeeze %dma_start3A_57 : memref<1x3x4096xf32, #tpu.memory_space<hbm>> -> memref<3x4096xf32, #tpu.memory_space<hbm>>
      %dma_start3A_59 = arith.constant 0 : i32
      %dma_start3A_60 = tpu.memref_slice %arg4[%add3A_43, %dma_start3A_59, %mul3A_55] : memref<20x3x131072xf32, #tpu.memory_space<hbm>> -> memref<1x3x4096xf32, #tpu.memory_space<hbm>>
      %dma_start3A_61 = tpu.memref_squeeze %dma_start3A_60 : memref<1x3x4096xf32, #tpu.memory_space<hbm>> -> memref<3x4096xf32, #tpu.memory_space<hbm>>
      tpu.enqueue_dma source(%arg8 : memref<3x4096xf32, #tpu.memory_space<vmem>>) target(%dma_start3A_61 : memref<3x4096xf32, #tpu.memory_space<hbm>>) target_semaphore(%arg10 : memref<!tpu.dma_semaphore, #tpu.memory_space<semaphore_mem>>)
    }
    %scan3A_7 = arith.constant 10 : i32
    %mul3A_8 = arith.constant 4096 : i32
    %mul3A_9 = arith.muli %add3A, %mul3A_8 : i32
    %dma_wait3A = arith.constant 0 : i32
    %dma_wait3A_10 = arith.constant 0 : i32
    %dma_wait3A_11 = tpu.memref_slice %arg4[%dma_wait3A, %dma_wait3A_10, %mul3A_9] : memref<20x3x131072xf32, #tpu.memory_space<hbm>> -> memref<1x3x4096xf32, #tpu.memory_space<hbm>>
    %dma_wait3A_12 = tpu.memref_squeeze %dma_wait3A_11 : memref<1x3x4096xf32, #tpu.memory_space<hbm>> -> memref<3x4096xf32, #tpu.memory_space<hbm>>
    %dma_wait3A_13 = arith.constant 0 : i32
    %dma_wait3A_14 = tpu.memref_slice %arg4[%dma_wait3A, %dma_wait3A_13, %mul3A_9] : memref<20x3x131072xf32, #tpu.memory_space<hbm>> -> memref<1x3x4096xf32, #tpu.memory_space<hbm>>
    %dma_wait3A_15 = tpu.memref_squeeze %dma_wait3A_14 : memref<1x3x4096xf32, #tpu.memory_space<hbm>> -> memref<3x4096xf32, #tpu.memory_space<hbm>>
    tpu.wait_dma2 semaphore(%arg9 : memref<!tpu.dma_semaphore, #tpu.memory_space<semaphore_mem>>) src(%arg7 : memref<3x4096xf32, #tpu.memory_space<vmem>>) dst(%dma_wait3A_15 : memref<3x4096xf32, #tpu.memory_space<hbm>>)
    %mul3A_16 = arith.constant 4096 : i32
    %mul3A_17 = arith.muli %add3A, %mul3A_16 : i32
    %dma_wait3A_18 = arith.constant 0 : i32
    %dma_wait3A_19 = arith.constant 0 : i32
    %dma_wait3A_20 = tpu.memref_slice %arg4[%dma_wait3A_18, %dma_wait3A_19, %mul3A_17] : memref<20x3x131072xf32, #tpu.memory_space<hbm>> -> memref<1x3x4096xf32, #tpu.memory_space<hbm>>
    %dma_wait3A_21 = tpu.memref_squeeze %dma_wait3A_20 : memref<1x3x4096xf32, #tpu.memory_space<hbm>> -> memref<3x4096xf32, #tpu.memory_space<hbm>>
    %dma_wait3A_22 = arith.constant 0 : i32
    %dma_wait3A_23 = tpu.memref_slice %arg4[%dma_wait3A_18, %dma_wait3A_22, %mul3A_17] : memref<20x3x131072xf32, #tpu.memory_space<hbm>> -> memref<1x3x4096xf32, #tpu.memory_space<hbm>>
    %dma_wait3A_24 = tpu.memref_squeeze %dma_wait3A_23 : memref<1x3x4096xf32, #tpu.memory_space<hbm>> -> memref<3x4096xf32, #tpu.memory_space<hbm>>
    tpu.wait_dma2 semaphore(%arg10 : memref<!tpu.dma_semaphore, #tpu.memory_space<semaphore_mem>>) src(%arg8 : memref<3x4096xf32, #tpu.memory_space<vmem>>) dst(%dma_wait3A_24 : memref<3x4096xf32, #tpu.memory_space<hbm>>)
    return
  }
}

</mosaic_0001>

<sc_bundles>
// kernel: kernel.3.cloned.1.call-start
scs
__scs_entry_jumppad:
0x0: {  	(pc) =	sbr.rel $0x88, $3  }
0x1: {  	(tag) =	ssettag $0x0;
	lr =	simm.s32 $0x1  }
0x2: {  	[smem:$0x3F9D] =	sst lr;
	_ =	strace $0xD0000000  }
0x3: {  	_ = 	snop  }
0x4: {  	_ = 	snop  }
0x5: {  	_ = 	snop  }
0x6: {  	_ = 	snop  }
0x7: {  	_ = 	snop  }
__scs_overlays_trampoline_lowered:
0x8: {  	[smem:$0x3FAC] =	sst s0  }
0x9: {  	[smem:$0x3FAD] =	sst s1  }
0xa: {  	[smem:$0x3FAE] =	sst s2  }
0xb: {  	[smem:$0x3FAF] =	sst s3  }
0xc: {  	[smem:$0x3FB0] =	sst s4  }
0xd: {  	[smem:$0x3FB1] =	sst s5  }
0xe: {  	[smem:$0x3FB2] =	sst s6  }
0xf: {  	[smem:$0x3FB3] =	sst s7  }
0x10: {  	[smem:$0x3FB4] =	sst s8  }
0x11: {  	[smem:$0x3FB5] =	sst s9;
	s0 =	simm.s32 @!p0 $0x0  }
0x12: {  	s1 =	sld [smem:$0x3F9B];
	s0 =	simm.s32 @p0 $0x1  }
0x13: {  	[smem:$0x3FB6] =	sst s0;
	s0 =	simm.s32 @!p1 $0x0  }
0x14: {  	s2 =	sld [smem:$0x3F9A];
	s0 =	simm.s32 @p1 $0x1  }
0x15: {  	[smem:$0x3FB7] =	sst s0;
	s0 =	simm.s32 @!p2 $0x0  }
0x16: {  	s3 =	sld [smem:$0x3FDB];
	s0 =	simm.s32 @p2 $0x1  }
0x17: {  	s4 =	simm.s32 $0x1BF5;
	[smem:$0x3FB9] =	sst s0  }
0x18: {  	s0 =	sld [smem:$0x3F9C];
	_ =	swait.ge [sflag:s4], $0x0  }
0x19: {  	s7 =	sld [smem:$0x3F9D]  }
0x1a: {  	s8 =	sadd.s32 $0xFFFFE003, lr  }
0x1b: {  	s9 =	sadd.s32 $0xFFFFFEF7, lr;
	s5 =	simm.s32 $0xFFFFFFFF;
	p2 =	slt.u32 s8, $0xFFFFF086  }
0x1c: {  	p1 =	slt.u32 s9, $0xF7A;
	s5 =	simm.s32 @!p2 $0x0  }
0x1d: {  	s5 =	simm.s32 @p1 $0x1;
	p0 =	seq.s32 s7, s2  }
0x1e: {  	s7 =	smul.u32 @!p0 $0xF7A, s2;
	p2 =	seq.s32 @!p0 s5, $0x0  }
0x1f: {  	s9 =	smul.u32 $0xF7A, s1;
	s8 =	simm.s32 @!p0 $0x1BF5;
	p2 =	por !p2, p0  }
0x20: {  	[sflag:s8] =	ssyncset.s32 @!p0 $0xFFFFF086;
	s6 =	sadd.s32 @!p0 s3, s7;
	s7 =	simm.s32 @!p0 $0x108  }
0x21: {  	s3 =	sadd.s32 s3, s9;
	s6 =	sadd.s32 @!p0 $0x88, s6;
	s7 =	simm.s32 @p2 $0x1082  }
0x22: {  	[simem:s7], [sflag:s8] =	dma.local @!p0 [hbm:s6], $0xF7A  }
0x23: {  	s9 =	sor.u32 $0xD0000000, s2;
	s6 =	simm.s32 $0x108;
	_ =	swait.ge @!p0 [sflag:s8], $0x0  }
0x24: {  	s3 =	sadd.s32 $0x88, s3;
	s6 =	simm.s32 @!p1 $0x1082;
	[sflag:s4] =	ssyncset.s32 $0xFFFFF086  }
0x25: {  	[simem:s6], [sflag:s4] =	dma.local [hbm:s3], $0xF7A  }
0x26: {  	[smem:$0x3F9D] =	sst s1;
	(tag) =	ssettag s2;
	_ =	strace s9  }
0x27: {  	s1 =	sld [smem:$0x3FAD]  }
0x28: {  	s2 =	sld [smem:$0x3FAE]  }
0x29: {  	s4 =	sld [smem:$0x3FB0]  }
0x2a: {  	p0 =	seq.s32 s5, $0x0;
	s5 =	sld [smem:$0x3FB1]  }
0x2b: {  	s6 =	sld [smem:$0x3FB2]  }
0x2c: {  	s7 =	sld [smem:$0x3FB3]  }
0x2d: {  	s3 =	simm.s32 $0x108;
	s8 =	sld [smem:$0x3FB4]  }
0x2e: {  	s3 =	simm.s32 @!p0 $0x1082;
	s9 =	sld [smem:$0x3FB5]  }
0x2f: {  	lr =	sadd.s32 s0, s3;
	s0 =	sld [smem:$0x3FAC]  }
0x30: {  	s3 =	sld [smem:$0x3FAF]  }
0x31: {  	[smem:$0x3FB8] =	sst s10  }
0x32: {  	s10 =	sld [smem:$0x3FB6];
	_ =	sdelay $0x3  }
0x33: {  	p0 =	seq.s32 s10, $0x1;
	s10 =	sld [smem:$0x3FB8];
	_ =	sdelay $0x3  }
0x34: {  	[smem:$0x3FB8] =	sst s10  }
0x35: {  	s10 =	sld [smem:$0x3FB7];
	_ =	sdelay $0x3  }
0x36: {  	p1 =	seq.s32 s10, $0x1;
	s10 =	sld [smem:$0x3FB8];
	_ =	sdelay $0x3  }
0x37: {  	[smem:$0x3FB8] =	sst s10  }
0x38: {  	s10 =	sld [smem:$0x3FB9]  }
0x39: {  	_ = 	snop;
	(pc) =	sbr.ind lr, $3  }
0x3a: {  	_ = 	snop  }
0x3b: {  	_ = 	snop  }
0x3c: {  	p2 =	seq.s32 s10, $0x1;
	s10 =	sld [smem:$0x3FB8]  }
0x3d: {  	_ =	shalt  }
0x3e: {  	_ =	shalt  }
0x3f: {  	_ =	shalt  }
0x40: {  	_ =	shalt  }
0x41: {  	_ =	shalt  }
0x42: {  	_ =	shalt  }
0x43: {  	_ =	shalt  }
0x44: {  	_ =	shalt  }
0x45: {  	_ =	shalt  }
0x46: {  	_ =	shalt  }
0x47: {  	_ =	shalt  }
0x48: {  	_ =	shalt  }
0x49: {  	_ =	shalt  }
0x4a: {  	_ =	shalt  }
0x4b: {  	_ =	shalt  }
0x4c: {  	_ =	shalt  }
0x4d: {  	_ =	shalt  }
0x4e: {  	_ =	shalt  }
0x4f: {  	_ =	shalt  }
0x50: {  	_ =	shalt  }
0x51: {  	_ =	shalt  }
0x52: {  	_ =	shalt  }
0x53: {  	_ =	shalt  }
0x54: {  	_ =	shalt  }
0x55: {  	_ =	shalt  }
0x56: {  	_ =	shalt  }
0x57: {  	_ =	shalt  }
0x58: {  	_ =	shalt  }
0x59: {  	_ =	shalt  }
0x5a: {  	_ =	shalt  }
0x5b: {  	_ =	shalt  }
0x5c: {  	_ =	shalt  }
0x5d: {  	_ =	shalt  }
0x5e: {  	_ =	shalt  }
0x5f: {  	_ =	shalt  }
0x60: {  	_ =	shalt  }
0x61: {  	_ =	shalt  }
0x62: {  	_ =	shalt  }
0x63: {  	_ =	shalt  }
0x64: {  	_ =	shalt  }
0x65: {  	_ =	shalt  }
0x66: {  	_ =	shalt  }
0x67: {  	_ =	shalt  }
0x68: {  	_ =	shalt  }
0x69: {  	_ =	shalt  }
0x6a: {  	_ =	shalt  }
0x6b: {  	_ =	shalt  }
0x6c: {  	_ =	shalt  }
0x6d: {  	_ =	shalt  }
0x6e: {  	_ =	shalt  }
0x6f: {  	_ =	shalt  }
0x70: {  	_ =	shalt  }
0x71: {  	_ =	shalt  }
0x72: {  	_ =	shalt  }
0x73: {  	_ =	shalt  }
0x74: {  	_ =	shalt  }
0x75: {  	_ =	shalt  }
0x76: {  	_ =	shalt  }
0x77: {  	_ =	shalt  }
0x78: {  	_ =	shalt  }
0x79: {  	_ =	shalt  }
0x7a: {  	_ =	shalt  }
0x7b: {  	_ =	shalt  }
0x7c: {  	_ =	shalt  }
0x7d: {  	_ =	shalt  }
0x7e: {  	_ =	shalt  }
0x7f: {  	_ =	shalt  }
0x80: {  	_ =	shalt  }
0x81: {  	_ =	shalt  }
0x82: {  	_ =	shalt  }
0x83: {  	_ =	shalt  }
0x84: {  	_ =	shalt  }
0x85: {  	_ =	shalt  }
0x86: {  	_ =	shalt  }
0x87: {  	_ =	shalt  }
.Lfunc_end0:
.L_simem_size_0:
called_computation_lowered:
.L_overlay_start_0:
0x88: {  	s2 =	sld [smem:$0x3FD9]  }
0x89: {  	s3 =	sld [smem:$0x3FFE];
	_ =	sdelay $0x1  }
0x8a: {  	s1 =	srdreg.scid  }
0x8b: {  	s0 =	sand.u32 $0x1, s1  }
0x8c: {  	s17 =	sshll.u32 s0, $0xA;
	s2 =	sadd.s32 s3, s2  }
0x8d: {  	s2 =	sadd.s32 s2, s17  }
0x8e: {  	[smem:$0x3FC4] =	sst s2  }
0x8f: {  	_ = 	snop  }
0x90: {  	s2 =	sld [smem:$0x3FD0];
	(tm) =	ssettm $0x1  }
0x91: {  	s18 =	sld [smem:$0x3FFB];
	_ =	sdelay $0x3  }
0x92: {  	_ =	strace s18  }
0x93: {  	s3 =	sld [smem:$0x3FFC];
	_ =	sdelay $0x3  }
0x94: {  	_ =	strace s3  }
0x95: {  	s3 =	sld [smem:$0x3FFD];
	_ =	sdelay $0x3  }
0x96: {  	_ =	strace s3  }
0x97: {  	_ =	strace $0x8FFFFFFF  }
0x98: {  	s19 =	sld [smem:$0x3FDB];
	_ =	sdelay $0x1  }
0x99: {  	s4 =	simm.s32 $_scs_section_size  }
0x9a: {  	s5 =	simm.s32 $_size__tile_overlayer_lowered;
	s6 =	simm.s32 $_tile_overlayer_lowered  }
0x9b: {  	s22 =	simm.s32 $0x1BFF;
	s21 =	sshll.u32 s6, $0x1;
	s3 =	sadd.s32 s4, s19  }
0x9c: {  	s7 =	simm.s32 $0x0;
	s20 =	sshll.u32 s5, $0x1;
	s5 =	sadd.s32 s21, s3  }
0x9d: {  	[timem:s7], [sflag:s22] =	dma.local [hbm:s5], s20  }
0x9e: {  	_ =	swait.ge [sflag:s22], s20  }
0x9f: {  	s4 =	ssub.s32 $0x0, s20;
	[sflag:s22] =	ssyncset.done $0x0  }
0xa0: {  	[sflag:s22] =	ssyncadd.s32 s4;
	_ =	sdelay $0x1  }
0xa1: {  	s23 =	simm.s32 $0x1B8B  }
0xa2: {  	_ =	swait.ge [sflag:s23], $0x1  }
0xa3: {  	[sflag:s23] =	ssyncset.done $0x0  }
0xa4: {  	s25 =	simm.s32 $0x1B8E;
	s24 =	sld [smem:$0x3FFE];
	[sflag:s23] =	ssyncadd.s32 $0xFFFFFFFF  }
0xa5: {  	s26 =	simm.s32 $execute0_lowered;
	[smem:$0x3FD2] =	sst s25  }
0xa6: {  	s5 =	sshll.u32 s26, $0x1;
	_ =	strace $0x80000046;
	[dreg:$0x1] =	wrdreg $0xFFFFFFFF  }
0xa7: {  	s28 =	simm.s32 $_size_execute0_lowered;
	s3 =	sadd.s32 s3, s5;
	[dreg:$0x0] =	wrdreg $0x0  }
0xa8: {  	s5 =	sshll.u32 s28, $0x1;
	[dreg:$0x2] =	wrdreg s3  }
0xa9: {  	[dreg:$0x3] =	wrdreg s5  }
0xaa: {  	[dreg:$0x4] =	wrdreg $0xC0  }
0xab: {  	_ =	task [dreg:s7], $0x5FFFF  }
0xac: {  	[dreg:$0x1] =	wrdreg $0xFFFFFFFF  }
0xad: {  	[dreg:$0x0] =	wrdreg $0x60  }
0xae: {  	[dreg:$0x2] =	wrdreg s24  }
0xaf: {  	[dreg:$0x3] =	wrdreg s2  }
0xb0: {  	[dreg:$0x4] =	wrdreg $0x9  }
0xb1: {  	_ =	task.clear_ibuf [dreg:s7], $0x5FFFF;
	_ =	strace $0x90000046  }
0xb2: {  	s29 =	simm.s32 $0x9;
	_ =	strace $0x80000048  }
0xb3: {  	_ =	swait.ge [sflag:s29], $0x1  }
0xb4: {  	[sflag:s29] =	ssyncadd.s32 $0xFFFFFFFF  }
0xb5: {  	_ =	strace $0x90000048  }
0xb6: {  	_ =	sfence  }
0xb7: {  	s30 =	sld [smem:$0x0];
	_ =	sdelay $0x2  }
0xb8: {  	s31 =	sshll.u32 s1, $0xD;
	s1 =	sshrl.u32 s1, $0x2  }
0xb9: {  	s3 =	sand.u32 $0x4000, s31;
	s1 =	sadd.s32 s1, s30  }
0xba: {  	s0 =	sor.u32 s3, s0;
	s1 =	sshll.u32 s1, $0x11  }
0xbb: {  	s0 =	sor.u32 s1, s0  }
0xbc: {  	s0 =	sadd.s32 $0x8F2B, s0  }
0xbd: {  	[sflag:s0] =	ssyncadd.remote.s32 $0x1  }
0xbe: {  	_ =	sfence.sel $0xFFFF  }
0xbf: {  	[dreg:$0x0] =	wrdreg $0xFFFFFFFF;
	(pc) =	sbr.abs _section_cstart, $3  }
0xc0: {  	[dreg:$0x1] =	wrdreg $0xFFFFFFFF  }
0xc1: {  	_ =	task.clear_ibuf [dreg:s7], $0x2FFFF;
	_ =	strace $0x9FFFFFFF  }
0xc2: {  	(tm) =	ssettm $0x7FFFFFFF  }
0xc3: {  	_ =	shalt  }
tec
execute0_lowered:
.L_overlay_start_1:
0x0: {  	(tag) =	ssettag $0x1  }
0x1: {  	s4 =	rddreg [dreg:$0x0]  }
0x2: {  	s2 =	rddreg [dreg:$0x1]  }
0x3: {  	s0 =	rddreg [dreg:$0x2];
	s5 =	srdreg.scid  }
0x4: {  	s1 =	stileid.u32;
	s3 =	simm.s32 $0x0;
	s9 =	simm.s32 $0x200  }
0x5: {  	s10 =	simm.s32 $0x4000;
	s11 =	simm.s32 $0x690;
	s12 =	simm.s32 $0x1000  }
0x6: {  	s13 =	simm.s32 $0x20000;
	s14 =	simm.s32 $0x2E90;
	s15 =	simm.s32 $0x5E90  }
0x7: {  	s16 =	simm.s32 $0x1;
	s17 =	simm.s32 $0x2;
	s18 =	simm.s32 $0x0  }
0x8: {  	s5 =	sand.u32 $0x1, s5;
	s6 =	sshll.u32 s1, $0x1;
	[smem:$0x7FF] =	sst s3  }
0x9: {  	s6 =	sor.u32 s5, s6;
	_ =	strace $0x80000047;
	s5 =	ssub.s32 $0x2, s5  }
0xa: {  	s7 =	sshll.u32 s6, $0x6;
	s8 =	sshrl.u32 s5, $0x1;
	s6 =	sshll.u32 s6, $0xC  }
0xb: {  	s7 =	sadd.s32 s7, s4;
	s4 =	sadd.s32 $0x400, s4;
	s8 =	ssub.s32 s5, s8  }
0xc: {  	s5 =	sadd.s32 $0x600, s7;
	s7 =	smax.u32 s8, $0x1;
	s8 =	simm.s32 $0x3  }
.LBB2_1:
0xd: {  	[tilespmem:s3], [sflag:$0x3] =	stream.linear.gather [hbm4b:s4+s3], $0x690, $0x38;
	[tilespmem:$0x8E90] =	vst v63  }
0xe: {  	_ =	swait.ge [sflag:s8], $0x690  }
0xf: {  	[sflag:s8] =	ssyncset.done $0x0  }
0x10: {  	[sflag:s8] =	ssyncadd.s32 $0xFFFFF970  }
0x11: {  	[tilespmem:s11], [sflag:$0x3] =	stream.strided.gather [hbm4b:s5+s9], $0x2800, s10, s9, $0x38;
	[tilespmem:$0x8E90] =	vst v63  }
0x12: {  	_ =	swait.ge [sflag:s8], $0x2800  }
0x13: {  	s19 =	simm.s32 $0x6A0;
	[sflag:s8] =	ssyncset.done $0x0  }
0x14: {  	s20 =	simm.s32 $0x8A0;
	s21 =	simm.s32 $0x0;
	[sflag:s8] =	ssyncadd.s32 $0xFFFFD800  }
.LBB2_2:
0x15: {  	p0 =	seq.s32 s21, $0x0  }
0x16: {  	s22 =	simm.s32 @!p0 $0x1  }
0x17: {  	_ =	swait.ge @!p0 [sflag:s22], $0x3000  }
0x18: {  	[sflag:s22] =	ssyncset.done @!p0 $0x0  }
0x19: {  	[sflag:s22] =	ssyncadd.s32 @!p0 $0xFFFFD000  }
0x1a: {  	v2 =	vld [tilespmem:s19+$0x0];
	_ =	sdelay $0x4  }
0x1b: {  	v3 =	vadd.s32 $0x46, v2  }
0x1c: {  	v4 =	vadd.s32 $0x8C, v2  }
0x1d: {  	v5 =	vadd.s32 $0xD2, v2  }
0x1e: {  	v0 =	vld [tilespmem:s19+$0xFFFFFFF0];
	v6 =	vadd.s32 $0x118, v2  }
0x1f: {  	v7 =	vadd.s32 $0x15E, v2;
	v1 =	vld.idx.msk [tilespmem:v2+s3+$0x0], $0xffff  }
0x20: {  	v8 =	vadd.s32 $0x1A4, v2;
	v3 =	vld.idx.msk [tilespmem:v3+s3+$0x0], $0xffff  }
0x21: {  	v9 =	vadd.s32 $0x1EA, v2;
	v4 =	vld.idx.msk [tilespmem:v4+s3+$0x0], $0xffff  }
0x22: {  	v10 =	vadd.s32 $0x230, v2;
	v5 =	vld.idx.msk [tilespmem:v5+s3+$0x0], $0xffff  }
0x23: {  	v11 =	vadd.s32 $0x276, v2;
	v6 =	vld.idx.msk [tilespmem:v6+s3+$0x0], $0xffff  }
0x24: {  	v12 =	vadd.s32 $0x2BC, v2;
	v7 =	vld.idx.msk [tilespmem:v7+s3+$0x0], $0xffff  }
0x25: {  	v13 =	vadd.s32 $0x302, v2;
	v8 =	vld.idx.msk [tilespmem:v8+s3+$0x0], $0xffff  }
0x26: {  	v14 =	vadd.s32 $0x348, v2;
	v9 =	vld.idx.msk [tilespmem:v9+s3+$0x0], $0xffff  }
0x27: {  	v16 =	vadd.s32 $0x3D4, v2;
	v15 =	vld.idx.msk [tilespmem:v10+s3+$0x0], $0xffff  }
0x28: {  	v17 =	vadd.s32 $0x41A, v2;
	v11 =	vld.idx.msk [tilespmem:v11+s3+$0x0], $0xffff  }
0x29: {  	v19 =	vadd.s32 $0x532, v2;
	v12 =	vld.idx.msk [tilespmem:v12+s3+$0x0], $0xffff  }
0x2a: {  	v10 =	vadd.s32 $0x38E, v2;
	v18 =	vld.idx.msk [tilespmem:v13+s3+$0x0], $0xffff  }
0x2b: {  	v13 =	vadd.s32 $0x460, v2;
	v21 =	vld.idx.msk [tilespmem:v14+s3+$0x0], $0xffff  }
0x2c: {  	v14 =	vadd.s32 $0x64A, v2;
	v30 =	vld.idx.msk [tilespmem:v16+s3+$0x0], $0xffff  }
0x2d: {  	v20 =	vadd.s32 $0x5BE, v2;
	v17 =	vld.idx.msk [tilespmem:v17+s3+$0x0], $0xffff  }
0x2e: {  	v16 =	vadd.s32 $0x4EC, v2;
	v26 =	vld.idx.msk [tilespmem:v19+s3+$0x0], $0xffff  }
0x2f: {  	v25 =	vld.idx.msk [tilespmem:v10+s3+$0x0], $0xffff;
	v10 =	vadd.s32 $0x4A6, v2  }
0x30: {  	v31 =	vld.idx.msk [tilespmem:v13+s3+$0x0], $0xffff;
	v13 =	vadd.s32 $0x578, v2  }
0x31: {  	v14 =	vld.idx.msk [tilespmem:v14+s3+$0x0], $0xffff;
	v2 =	vadd.s32 $0x604, v2  }
0x32: {  	s23 =	simm.s32 $0x0;
	v28 =	vld.idx.msk [tilespmem:v20+s3+$0x0], $0xffff;
	v19 =	vadd.s32 $0x118, v0  }
0x33: {  	s24 =	simm.s32 $0x10;
	s30 =	sand.u32 $0xC00, s23;
	v24 =	vld.idx.msk [tilespmem:v16+s3+$0x0], $0xffff;
	v16 =	vadd.s32 $0x8C, v0  }
0x34: {  	s31 =	sand.u32 $0x70, s24;
	s25 =	sadd.s32 $0x2E90, s30;
	v33 =	vadd.s32 $0x4A6, v0;
	v32 =	vld.idx.msk [tilespmem:v10+s3+$0x0], $0xffff  }
0x35: {  	s29 =	sadd.s32 s31, s25;
	v10 =	vadd.s32 $0x46, v0;
	v27 =	vld.idx.msk [tilespmem:v13+s3+$0x0], $0xffff  }
0x36: {  	v13 =	vadd.s32 $0xD2, v0;
	v29 =	vld.idx.msk [tilespmem:v2+s3+$0x0], $0xffff;
	[tilespmem:s29+$0x2380] =	vst v14  }
0x37: {  	v19 =	vld.idx.msk [tilespmem:v19+s3+$0x0], $0xffff;
	v2 =	vadd.s32 $0x15E, v0;
	[tilespmem:s29+$0x80] =	vst v3  }
0x38: {  	v14 =	vadd.s32 $0x1A4, v0;
	v22 =	vld.idx.msk [tilespmem:v16+s3+$0x0], $0xffff;
	[tilespmem:s29+$0x100] =	vst v4  }
0x39: {  	v3 =	vadd.s32 $0x1EA, v0;
	[tilespmem:s29+$0x1280] =	vst v25;
	v25 =	vld.idx.msk [tilespmem:v33+s3+$0x0], $0xffff  }
0x3a: {  	v4 =	vadd.s32 $0x230, v0;
	[tilespmem:s29+$0x180] =	vst v5;
	v23 =	vld.idx.msk [tilespmem:v10+s3+$0x0], $0xffff  }
0x3b: {  	v5 =	vadd.s32 $0x276, v0;
	[tilespmem:s29+$0x200] =	vst v6;
	v20 =	vld.idx.msk [tilespmem:v13+s3+$0x0], $0xffff  }
0x3c: {  	v6 =	vadd.s32 $0x2BC, v0;
	[tilespmem:s29+$0x280] =	vst v7;
	v16 =	vld.idx.msk [tilespmem:v2+s3+$0x0], $0xffff  }
0x3d: {  	v7 =	vadd.s32 $0x302, v0;
	[tilespmem:s29+$0x300] =	vst v8;
	v14 =	vld.idx.msk [tilespmem:v14+s3+$0x0], $0xffff  }
0x3e: {  	v8 =	vadd.s32 $0x348, v0;
	[tilespmem:s29+$0x380] =	vst v9;
	v13 =	vld.idx.msk [tilespmem:v3+s3+$0x0], $0xffff  }
0x3f: {  	[tilespmem:s29+$0x1000] =	vst v15;
	v9 =	vadd.s32 $0x3D4, v0;
	v10 =	vld.idx.msk [tilespmem:v4+s3+$0x0], $0xffff  }
0x40: {  	[tilespmem:s29+$0x1080] =	vst v11;
	v11 =	vadd.s32 $0x41A, v0;
	v4 =	vld.idx.msk [tilespmem:v5+s3+$0x0], $0xffff  }
0x41: {  	[tilespmem:s29+$0x1100] =	vst v12;
	v3 =	vadd.s32 $0x38E, v0;
	v2 =	vld.idx.msk [tilespmem:v6+s3+$0x0], $0xffff  }
0x42: {  	[tilespmem:s29+$0x1180] =	vst v18;
	v6 =	vadd.s32 $0x460, v0;
	v5 =	vld.idx.msk [tilespmem:v7+s3+$0x0], $0xffff  }
0x43: {  	[tilespmem:s29+$0x1200] =	vst v21;
	v7 =	vld.idx.msk [tilespmem:v8+s3+$0x0], $0xffff  }
0x44: {  	[tilespmem:s29+$0x1300] =	vst v30;
	v9 =	vld.idx.msk [tilespmem:v9+s3+$0x0], $0xffff  }
0x45: {  	s26 =	simm.s32 $0x0;
	[tilespmem:s29+$0x1380] =	vst v17;
	v15 =	vadd.s32 $0x4EC, v0;
	v11 =	vld.idx.msk [tilespmem:v11+s3+$0x0], $0xffff  }
0x46: {  	s28 =	sand.u32 $0x60, s26;
	s26 =	simm.s32 $0x0;
	v17 =	vadd.s32 $0x532, v0;
	v12 =	vadd.s32 $0x578, v0;
	[tilespmem:s29+$0x2000] =	vst v31;
	v8 =	vld.idx.msk [tilespmem:v3+s3+$0x0], $0xffff  }
0x47: {  	s25 =	sor.u32 s28, s25;
	s28 =	sadd.s32 $0x20, s19;
	s22 =	sshll.u32 s21, $0x1;
	v18 =	vadd.s32 $0x5BE, v0;
	[tilespmem:s29+$0x2080] =	vst v32;
	v21 =	vld.idx.msk [tilespmem:v6+s3+$0x0], $0xffff;
	v3 =	vadd.s32 $0x604, v0;
	v6 =	vadd.s32 $0x64A, v0  }
.LBB2_3:
0x48: {  	v47 =	vld [tilespmem:s28+$0x0];
	[tilespmem:s29+$0x2100] =	vst v24  }
0x49: {  	v24 =	vld [tilespmem:s28+$0xFFFFFFF0];
	[tilespmem:s29+$0x2180] =	vst v26  }
0x4a: {  	v26 =	vld.idx.msk [tilespmem:v15+s3+$0x0], $0xffff;
	[tilespmem:s29+$0x2200] =	vst v27  }
0x4b: {  	v27 =	vld.idx.msk [tilespmem:v17+s3+$0x0], $0xffff;
	[tilespmem:s29+$0x2280] =	vst v28  }
0x4c: {  	v28 =	vld.idx.msk [tilespmem:v12+s3+$0x0], $0xffff;
	[tilespmem:s29+$0x2300] =	vst v29  }
0x4d: {  	v12 =	vadd.s32 $0x46, v47;
	v29 =	vld.idx.msk [tilespmem:v18+s3+$0x0], $0xffff;
	[tilespmem:s29+$0x0] =	vst v1  }
0x4e: {  	v15 =	vadd.s32 $0x8C, v47;
	v46 =	vadd.s32 $0x46, v24;
	v37 =	vadd.s32 $0x8C, v24;
	v48 =	vld.idx.msk [tilespmem:v3+s3+$0x0], $0xffff  }
0x4f: {  	v39 =	vadd.s32 $0xD2, v24;
	v31 =	vadd.s32 $0x118, v24;
	v3 =	vadd.s32 $0xD2, v47;
	v49 =	vld.idx.msk [tilespmem:v6+s3+$0x0], $0xffff  }
0x50: {  	v38 =	vadd.s32 $0x15E, v24;
	v30 =	vadd.s32 $0x1A4, v24;
	v6 =	vadd.s32 $0x118, v47;
	v50 =	vld.idx.msk [tilespmem:v0+s3+$0x0], $0xffff;
	[tilespmem:s25+$0x80] =	vst v23;
	v0 =	vmovc v24  }
0x51: {  	v17 =	vadd.s32 $0x15E, v47;
	v40 =	vadd.s32 $0x1EA, v0;
	v32 =	vadd.s32 $0x230, v0;
	v1 =	vld.idx.msk [tilespmem:v47+s3+$0x0], $0xffff;
	[tilespmem:s25+$0x100] =	vst v22  }
0x52: {  	v18 =	vadd.s32 $0x1A4, v47;
	v41 =	vadd.s32 $0x276, v0;
	v33 =	vadd.s32 $0x2BC, v0;
	v22 =	vld.idx.msk [tilespmem:v12+s3+$0x0], $0xffff;
	[tilespmem:s25+$0x180] =	vst v20  }
0x53: {  	v23 =	vadd.s32 $0x1EA, v47;
	v42 =	vadd.s32 $0x302, v0;
	v34 =	vadd.s32 $0x348, v0;
	v20 =	vld.idx.msk [tilespmem:v15+s3+$0x0], $0xffff;
	[tilespmem:s25+$0x200] =	vst v19  }
0x54: {  	v24 =	vadd.s32 $0x230, v47;
	v43 =	vadd.s32 $0x38E, v0;
	v35 =	vadd.s32 $0x3D4, v0;
	v19 =	vld.idx.msk [tilespmem:v3+s3+$0x0], $0xffff;
	[tilespmem:s25+$0x280] =	vst v16  }
0x55: {  	v51 =	vadd.s32 $0x276, v47;
	v44 =	vadd.s32 $0x41A, v0;
	v36 =	vadd.s32 $0x460, v0;
	v16 =	vld.idx.msk [tilespmem:v6+s3+$0x0], $0xffff;
	[tilespmem:s25+$0x300] =	vst v14  }
0x56: {  	v52 =	vadd.s32 $0x2BC, v47;
	v45 =	vadd.s32 $0x4A6, v0;
	v15 =	vadd.s32 $0x4EC, v0;
	v14 =	vld.idx.msk [tilespmem:v17+s3+$0x0], $0xffff;
	[tilespmem:s25+$0x380] =	vst v13  }
0x57: {  	v53 =	vadd.s32 $0x302, v47;
	v12 =	vadd.s32 $0x578, v0;
	v17 =	vadd.s32 $0x532, v0;
	v13 =	vld.idx.msk [tilespmem:v18+s3+$0x0], $0xffff;
	[tilespmem:s25+$0x1000] =	vst v10  }
0x58: {  	s26 =	sadd.s32 $0x2, s26;
	v3 =	vadd.s32 $0x604, v0;
	v18 =	vadd.s32 $0x5BE, v0;
	v10 =	vld.idx.msk [tilespmem:v23+s3+$0x0], $0xffff;
	v23 =	vadd.s32 $0x348, v47;
	[tilespmem:s25+$0x1080] =	vst v4  }
0x59: {  	p1 =	slt.u32 s26, $0x1E;
	v6 =	vadd.s32 $0x64A, v0;
	v4 =	vld.idx.msk [tilespmem:v24+s3+$0x0], $0xffff;
	v24 =	vadd.s32 $0x38E, v47;
	[tilespmem:s25+$0x1100] =	vst v2  }
0x5a: {  	v2 =	vld.idx.msk [tilespmem:v51+s3+$0x0], $0xffff;
	v51 =	vadd.s32 $0x3D4, v47;
	[tilespmem:s25+$0x1180] =	vst v5  }
0x5b: {  	v5 =	vld.idx.msk [tilespmem:v52+s3+$0x0], $0xffff;
	v52 =	vadd.s32 $0x41A, v47;
	[tilespmem:s25+$0x1200] =	vst v7  }
0x5c: {  	v7 =	vld.idx.msk [tilespmem:v53+s3+$0x0], $0xffff;
	v53 =	vadd.s32 $0x460, v47;
	[tilespmem:s25+$0x1280] =	vst v8  }
0x5d: {  	v8 =	vld.idx.msk [tilespmem:v23+s3+$0x0], $0xffff;
	v23 =	vadd.s32 $0x64A, v47;
	[tilespmem:s25+$0x1300] =	vst v9  }
0x5e: {  	v9 =	vld.idx.msk [tilespmem:v24+s3+$0x0], $0xffff;
	v24 =	vadd.s32 $0x4A6, v47;
	[tilespmem:s25+$0x1380] =	vst v11  }
0x5f: {  	v11 =	vld.idx.msk [tilespmem:v51+s3+$0x0], $0xffff;
	v51 =	vadd.s32 $0x4EC, v47;
	[tilespmem:s25+$0x2000] =	vst v21  }
0x60: {  	v21 =	vld.idx.msk [tilespmem:v52+s3+$0x0], $0xffff;
	v52 =	vadd.s32 $0x532, v47;
	[tilespmem:s25+$0x2080] =	vst v25  }
0x61: {  	v25 =	vld.idx.msk [tilespmem:v53+s3+$0x0], $0xffff;
	v53 =	vadd.s32 $0x578, v47;
	[tilespmem:s25+$0x2100] =	vst v26  }
0x62: {  	v54 =	vadd.s32 $0x5BE, v47;
	v23 =	vld.idx.msk [tilespmem:v23+s3+$0x0], $0xffff;
	[tilespmem:s25+$0x2180] =	vst v27  }
0x63: {  	v47 =	vadd.s32 $0x604, v47;
	v55 =	vld.idx.msk [tilespmem:v24+s3+$0x0], $0xffff;
	[tilespmem:s25+$0x2200] =	vst v28  }
0x64: {  	s23 =	sadd.s32 $0x100, s23;
	v24 =	vld.idx.msk [tilespmem:v51+s3+$0x0], $0xffff;
	[tilespmem:s25+$0x2280] =	vst v29  }
0x65: {  	s24 =	sadd.s32 $0x20, s24;
	s29 =	sand.u32 $0xC00, s23;
	v26 =	vld.idx.msk [tilespmem:v52+s3+$0x0], $0xffff;
	[tilespmem:s25+$0x2300] =	vst v48  }
0x66: {  	s30 =	sadd.s32 $0xFFFFFFF0, s24;
	s31 =	sadd.s32 $0x2E90, s29;
	s29 =	sand.u32 $0x70, s24;
	v27 =	vld.idx.msk [tilespmem:v53+s3+$0x0], $0xffff;
	[tilespmem:s25+$0x2380] =	vst v49  }
0x67: {  	s30 =	sand.u32 $0x60, s30;
	s29 =	sadd.s32 s29, s31;
	v28 =	vld.idx.msk [tilespmem:v54+s3+$0x0], $0xffff;
	[tilespmem:s25+$0x0] =	vst v50  }
0x68: {  	s25 =	sor.u32 s30, s31;
	v29 =	vld.idx.msk [tilespmem:v47+s3+$0x0], $0xffff;
	[tilespmem:s29+$0x2380] =	vst v23  }
0x69: {  	v23 =	vld.idx.msk [tilespmem:v46+s3+$0x0], $0xffff;
	[tilespmem:s29+$0x80] =	vst v22  }
0x6a: {  	v22 =	vld.idx.msk [tilespmem:v37+s3+$0x0], $0xffff;
	[tilespmem:s29+$0x100] =	vst v20  }
0x6b: {  	v20 =	vld.idx.msk [tilespmem:v39+s3+$0x0], $0xffff;
	[tilespmem:s29+$0x180] =	vst v19  }
0x6c: {  	v19 =	vld.idx.msk [tilespmem:v31+s3+$0x0], $0xffff;
	[tilespmem:s29+$0x200] =	vst v16  }
0x6d: {  	v16 =	vld.idx.msk [tilespmem:v38+s3+$0x0], $0xffff;
	[tilespmem:s29+$0x280] =	vst v14  }
0x6e: {  	v14 =	vld.idx.msk [tilespmem:v30+s3+$0x0], $0xffff;
	[tilespmem:s29+$0x300] =	vst v13  }
0x6f: {  	v13 =	vld.idx.msk [tilespmem:v40+s3+$0x0], $0xffff;
	[tilespmem:s29+$0x380] =	vst v10  }
0x70: {  	v10 =	vld.idx.msk [tilespmem:v32+s3+$0x0], $0xffff;
	[tilespmem:s29+$0x1000] =	vst v4  }
0x71: {  	v4 =	vld.idx.msk [tilespmem:v41+s3+$0x0], $0xffff;
	[tilespmem:s29+$0x1080] =	vst v2  }
0x72: {  	v2 =	vld.idx.msk [tilespmem:v33+s3+$0x0], $0xffff;
	[tilespmem:s29+$0x1100] =	vst v5  }
0x73: {  	v5 =	vld.idx.msk [tilespmem:v42+s3+$0x0], $0xffff;
	[tilespmem:s29+$0x1180] =	vst v7  }
0x74: {  	v7 =	vld.idx.msk [tilespmem:v34+s3+$0x0], $0xffff;
	[tilespmem:s29+$0x1200] =	vst v8  }
.Ltmp0:
0x75: {  	v8 =	vld.idx.msk [tilespmem:v43+s3+$0x0], $0xffff;
	[tilespmem:s29+$0x1280] =	vst v9;
	(pc) =	sbr.rel @p1 .LBB2_3-.Ltmp0, $4  }
0x76: {  	v9 =	vld.idx.msk [tilespmem:v35+s3+$0x0], $0xffff;
	[tilespmem:s29+$0x1300] =	vst v11  }
0x77: {  	v11 =	vld.idx.msk [tilespmem:v44+s3+$0x0], $0xffff;
	[tilespmem:s29+$0x1380] =	vst v21  }
0x78: {  	v21 =	vld.idx.msk [tilespmem:v36+s3+$0x0], $0xffff;
	[tilespmem:s29+$0x2000] =	vst v25  }
0x79: {  	s28 =	sadd.s32 $0x20, s28;
	v25 =	vld.idx.msk [tilespmem:v45+s3+$0x0], $0xffff;
	[tilespmem:s29+$0x2080] =	vst v55  }
0x7a: {  	_ =	sdelay $0x3  }
0x7b: {  	v15 =	vld.idx.msk [tilespmem:v15+s3+$0x0], $0xffff;
	[tilespmem:s29+$0x2100] =	vst v24  }
0x7c: {  	v17 =	vld.idx.msk [tilespmem:v17+s3+$0x0], $0xffff;
	[tilespmem:s29+$0x2180] =	vst v26  }
0x7d: {  	v12 =	vld.idx.msk [tilespmem:v12+s3+$0x0], $0xffff;
	[tilespmem:s29+$0x2200] =	vst v27  }
0x7e: {  	v18 =	vld.idx.msk [tilespmem:v18+s3+$0x0], $0xffff;
	[tilespmem:s29+$0x2280] =	vst v28  }
0x7f: {  	v3 =	vld.idx.msk [tilespmem:v3+s3+$0x0], $0xffff;
	[tilespmem:s29+$0x2300] =	vst v29  }
0x80: {  	v6 =	vld.idx.msk [tilespmem:v6+s3+$0x0], $0xffff;
	[tilespmem:s29+$0x0] =	vst v1  }
0x81: {  	v0 =	vld.idx.msk [tilespmem:v0+s3+$0x0], $0xffff;
	[tilespmem:s25+$0x80] =	vst v23  }
0x82: {  	[tilespmem:s25+$0x100] =	vst v22  }
0x83: {  	[tilespmem:s25+$0x180] =	vst v20  }
0x84: {  	[tilespmem:s25+$0x200] =	vst v19  }
0x85: {  	[tilespmem:s25+$0x280] =	vst v16  }
0x86: {  	[tilespmem:s25+$0x300] =	vst v14  }
0x87: {  	[tilespmem:s25+$0x380] =	vst v13  }
0x88: {  	[tilespmem:s25+$0x1000] =	vst v10  }
0x89: {  	[tilespmem:s25+$0x1080] =	vst v4  }
0x8a: {  	[tilespmem:s25+$0x1100] =	vst v2  }
0x8b: {  	[tilespmem:s25+$0x1180] =	vst v5  }
0x8c: {  	[tilespmem:s25+$0x1200] =	vst v7  }
0x8d: {  	[tilespmem:s25+$0x1280] =	vst v8  }
0x8e: {  	[tilespmem:s25+$0x1300] =	vst v9  }
0x8f: {  	[tilespmem:s25+$0x1380] =	vst v11  }
0x90: {  	[tilespmem:s25+$0x2000] =	vst v21  }
0x91: {  	[tilespmem:s25+$0x2080] =	vst v25  }
0x92: {  	[tilespmem:s25+$0x2100] =	vst v15  }
0x93: {  	[tilespmem:s25+$0x2180] =	vst v17  }
0x94: {  	s23 =	smul.u32 $0xC0000, s21;
	[tilespmem:s25+$0x2200] =	vst v12  }
0x95: {  	[tilespmem:s25+$0x2280] =	vst v18  }
0x96: {  	s23 =	sor.u32 s6, s23;
	[tilespmem:s25+$0x2300] =	vst v3  }
0x97: {  	s23 =	sshrl.u32 s23, $0x3;
	[tilespmem:s25+$0x2380] =	vst v6  }
0x98: {  	s23 =	sadd.s32 s2, s23;
	[tilespmem:s25+$0x0] =	vst v0  }
0x99: {  	[hbm4b:s23+s12] =	stream.strided.scatter [tilespmem:s14], [sflag:$0x1], $0x3000, s13, s12, $0x38;
	[tilespmem:$0x8E90] =	vst v63  }
0x9a: {  	s23 =	simm.s32 @!p0 $0x2  }
0x9b: {  	_ =	swait.ge @!p0 [sflag:s23], $0x3000  }
0x9c: {  	[sflag:s23] =	ssyncset.done @!p0 $0x0  }
0x9d: {  	[sflag:s23] =	ssyncadd.s32 @!p0 $0xFFFFD000  }
0x9e: {  	v2 =	vld [tilespmem:s20+$0x0];
	_ =	sdelay $0x4  }
0x9f: {  	v3 =	vadd.s32 $0x46, v2  }
0xa0: {  	v4 =	vadd.s32 $0x8C, v2  }
0xa1: {  	v5 =	vadd.s32 $0xD2, v2  }
0xa2: {  	v0 =	vld [tilespmem:s20+$0xFFFFFFF0];
	v6 =	vadd.s32 $0x118, v2  }
0xa3: {  	v7 =	vadd.s32 $0x15E, v2;
	v1 =	vld.idx.msk [tilespmem:v2+s3+$0x0], $0xffff  }
0xa4: {  	v8 =	vadd.s32 $0x1A4, v2;
	v3 =	vld.idx.msk [tilespmem:v3+s3+$0x0], $0xffff  }
0xa5: {  	v9 =	vadd.s32 $0x1EA, v2;
	v4 =	vld.idx.msk [tilespmem:v4+s3+$0x0], $0xffff  }
0xa6: {  	v10 =	vadd.s32 $0x230, v2;
	v5 =	vld.idx.msk [tilespmem:v5+s3+$0x0], $0xffff  }
0xa7: {  	v11 =	vadd.s32 $0x276, v2;
	v6 =	vld.idx.msk [tilespmem:v6+s3+$0x0], $0xffff  }
0xa8: {  	v12 =	vadd.s32 $0x2BC, v2;
	v7 =	vld.idx.msk [tilespmem:v7+s3+$0x0], $0xffff  }
0xa9: {  	v13 =	vadd.s32 $0x302, v2;
	v8 =	vld.idx.msk [tilespmem:v8+s3+$0x0], $0xffff  }
0xaa: {  	v14 =	vadd.s32 $0x348, v2;
	v9 =	vld.idx.msk [tilespmem:v9+s3+$0x0], $0xffff  }
0xab: {  	v16 =	vadd.s32 $0x3D4, v2;
	v15 =	vld.idx.msk [tilespmem:v10+s3+$0x0], $0xffff  }
0xac: {  	v17 =	vadd.s32 $0x41A, v2;
	v11 =	vld.idx.msk [tilespmem:v11+s3+$0x0], $0xffff  }
0xad: {  	v19 =	vadd.s32 $0x532, v2;
	v12 =	vld.idx.msk [tilespmem:v12+s3+$0x0], $0xffff  }
0xae: {  	v10 =	vadd.s32 $0x38E, v2;
	v18 =	vld.idx.msk [tilespmem:v13+s3+$0x0], $0xffff  }
0xaf: {  	v13 =	vadd.s32 $0x460, v2;
	v21 =	vld.idx.msk [tilespmem:v14+s3+$0x0], $0xffff  }
0xb0: {  	v14 =	vadd.s32 $0x64A, v2;
	v30 =	vld.idx.msk [tilespmem:v16+s3+$0x0], $0xffff  }
0xb1: {  	v20 =	vadd.s32 $0x5BE, v2;
	v17 =	vld.idx.msk [tilespmem:v17+s3+$0x0], $0xffff  }
0xb2: {  	v16 =	vadd.s32 $0x4EC, v2;
	v26 =	vld.idx.msk [tilespmem:v19+s3+$0x0], $0xffff  }
0xb3: {  	v25 =	vld.idx.msk [tilespmem:v10+s3+$0x0], $0xffff;
	v10 =	vadd.s32 $0x4A6, v2  }
0xb4: {  	v31 =	vld.idx.msk [tilespmem:v13+s3+$0x0], $0xffff;
	v13 =	vadd.s32 $0x578, v2  }
0xb5: {  	v14 =	vld.idx.msk [tilespmem:v14+s3+$0x0], $0xffff;
	v2 =	vadd.s32 $0x604, v2  }
0xb6: {  	s23 =	simm.s32 $0x0;
	v28 =	vld.idx.msk [tilespmem:v20+s3+$0x0], $0xffff;
	v19 =	vadd.s32 $0x118, v0  }
0xb7: {  	s24 =	simm.s32 $0x10;
	s30 =	sand.u32 $0xC00, s23;
	v24 =	vld.idx.msk [tilespmem:v16+s3+$0x0], $0xffff;
	v16 =	vadd.s32 $0x8C, v0  }
0xb8: {  	s26 =	sand.u32 $0x70, s24;
	s25 =	sadd.s32 $0x5E90, s30;
	v33 =	vadd.s32 $0x4A6, v0;
	v32 =	vld.idx.msk [tilespmem:v10+s3+$0x0], $0xffff  }
0xb9: {  	s29 =	sadd.s32 s26, s25;
	v10 =	vadd.s32 $0x46, v0;
	v27 =	vld.idx.msk [tilespmem:v13+s3+$0x0], $0xffff  }
0xba: {  	v13 =	vadd.s32 $0xD2, v0;
	v29 =	vld.idx.msk [tilespmem:v2+s3+$0x0], $0xffff;
	[tilespmem:s29+$0x2380] =	vst v14  }
0xbb: {  	v19 =	vld.idx.msk [tilespmem:v19+s3+$0x0], $0xffff;
	v2 =	vadd.s32 $0x15E, v0;
	[tilespmem:s29+$0x80] =	vst v3  }
0xbc: {  	v14 =	vadd.s32 $0x1A4, v0;
	v22 =	vld.idx.msk [tilespmem:v16+s3+$0x0], $0xffff;
	[tilespmem:s29+$0x100] =	vst v4  }
0xbd: {  	v3 =	vadd.s32 $0x1EA, v0;
	[tilespmem:s29+$0x1280] =	vst v25;
	v25 =	vld.idx.msk [tilespmem:v33+s3+$0x0], $0xffff  }
0xbe: {  	v4 =	vadd.s32 $0x230, v0;
	[tilespmem:s29+$0x180] =	vst v5;
	v23 =	vld.idx.msk [tilespmem:v10+s3+$0x0], $0xffff  }
0xbf: {  	v5 =	vadd.s32 $0x276, v0;
	[tilespmem:s29+$0x200] =	vst v6;
	v20 =	vld.idx.msk [tilespmem:v13+s3+$0x0], $0xffff  }
0xc0: {  	v6 =	vadd.s32 $0x2BC, v0;
	[tilespmem:s29+$0x280] =	vst v7;
	v16 =	vld.idx.msk [tilespmem:v2+s3+$0x0], $0xffff  }
0xc1: {  	v7 =	vadd.s32 $0x302, v0;
	[tilespmem:s29+$0x300] =	vst v8;
	v14 =	vld.idx.msk [tilespmem:v14+s3+$0x0], $0xffff  }
0xc2: {  	v8 =	vadd.s32 $0x348, v0;
	[tilespmem:s29+$0x380] =	vst v9;
	v13 =	vld.idx.msk [tilespmem:v3+s3+$0x0], $0xffff  }
0xc3: {  	[tilespmem:s29+$0x1000] =	vst v15;
	v9 =	vadd.s32 $0x3D4, v0;
	v10 =	vld.idx.msk [tilespmem:v4+s3+$0x0], $0xffff  }
0xc4: {  	[tilespmem:s29+$0x1080] =	vst v11;
	v11 =	vadd.s32 $0x41A, v0;
	v4 =	vld.idx.msk [tilespmem:v5+s3+$0x0], $0xffff  }
0xc5: {  	[tilespmem:s29+$0x1100] =	vst v12;
	v3 =	vadd.s32 $0x38E, v0;
	v2 =	vld.idx.msk [tilespmem:v6+s3+$0x0], $0xffff  }
0xc6: {  	[tilespmem:s29+$0x1180] =	vst v18;
	v6 =	vadd.s32 $0x460, v0;
	v5 =	vld.idx.msk [tilespmem:v7+s3+$0x0], $0xffff  }
0xc7: {  	[tilespmem:s29+$0x1200] =	vst v21;
	v7 =	vld.idx.msk [tilespmem:v8+s3+$0x0], $0xffff  }
0xc8: {  	[tilespmem:s29+$0x1300] =	vst v30;
	v9 =	vld.idx.msk [tilespmem:v9+s3+$0x0], $0xffff  }
0xc9: {  	s31 =	simm.s32 $0x0;
	[tilespmem:s29+$0x1380] =	vst v17;
	v15 =	vadd.s32 $0x4EC, v0;
	v11 =	vld.idx.msk [tilespmem:v11+s3+$0x0], $0xffff  }
0xca: {  	s22 =	sor.u32 $0x1, s22;
	s28 =	sand.u32 $0x60, s31;
	v17 =	vadd.s32 $0x532, v0;
	v12 =	vadd.s32 $0x578, v0;
	[tilespmem:s29+$0x2000] =	vst v31;
	v8 =	vld.idx.msk [tilespmem:v3+s3+$0x0], $0xffff  }
0xcb: {  	s26 =	simm.s32 $0x0;
	s25 =	sor.u32 s28, s25;
	s28 =	sadd.s32 $0x20, s20;
	v18 =	vadd.s32 $0x5BE, v0;
	[tilespmem:s29+$0x2080] =	vst v32;
	v21 =	vld.idx.msk [tilespmem:v6+s3+$0x0], $0xffff;
	v3 =	vadd.s32 $0x604, v0;
	v6 =	vadd.s32 $0x64A, v0  }
.LBB2_5:
0xcc: {  	v47 =	vld [tilespmem:s28+$0x0];
	[tilespmem:s29+$0x2100] =	vst v24  }
0xcd: {  	v24 =	vld [tilespmem:s28+$0xFFFFFFF0];
	[tilespmem:s29+$0x2180] =	vst v26  }
0xce: {  	v26 =	vld.idx.msk [tilespmem:v15+s3+$0x0], $0xffff;
	[tilespmem:s29+$0x2200] =	vst v27  }
0xcf: {  	v27 =	vld.idx.msk [tilespmem:v17+s3+$0x0], $0xffff;
	[tilespmem:s29+$0x2280] =	vst v28  }
0xd0: {  	v28 =	vld.idx.msk [tilespmem:v12+s3+$0x0], $0xffff;
	[tilespmem:s29+$0x2300] =	vst v29  }
0xd1: {  	v12 =	vadd.s32 $0x46, v47;
	v29 =	vld.idx.msk [tilespmem:v18+s3+$0x0], $0xffff;
	[tilespmem:s29+$0x0] =	vst v1  }
0xd2: {  	v15 =	vadd.s32 $0x8C, v47;
	v46 =	vadd.s32 $0x46, v24;
	v37 =	vadd.s32 $0x8C, v24;
	v48 =	vld.idx.msk [tilespmem:v3+s3+$0x0], $0xffff  }
0xd3: {  	v39 =	vadd.s32 $0xD2, v24;
	v31 =	vadd.s32 $0x118, v24;
	v3 =	vadd.s32 $0xD2, v47;
	v49 =	vld.idx.msk [tilespmem:v6+s3+$0x0], $0xffff  }
0xd4: {  	v38 =	vadd.s32 $0x15E, v24;
	v30 =	vadd.s32 $0x1A4, v24;
	v6 =	vadd.s32 $0x118, v47;
	v50 =	vld.idx.msk [tilespmem:v0+s3+$0x0], $0xffff;
	[tilespmem:s25+$0x80] =	vst v23;
	v0 =	vmovc v24  }
0xd5: {  	v17 =	vadd.s32 $0x15E, v47;
	v40 =	vadd.s32 $0x1EA, v0;
	v32 =	vadd.s32 $0x230, v0;
	v1 =	vld.idx.msk [tilespmem:v47+s3+$0x0], $0xffff;
	[tilespmem:s25+$0x100] =	vst v22  }
0xd6: {  	v18 =	vadd.s32 $0x1A4, v47;
	v41 =	vadd.s32 $0x276, v0;
	v33 =	vadd.s32 $0x2BC, v0;
	v22 =	vld.idx.msk [tilespmem:v12+s3+$0x0], $0xffff;
	[tilespmem:s25+$0x180] =	vst v20  }
0xd7: {  	v23 =	vadd.s32 $0x1EA, v47;
	v42 =	vadd.s32 $0x302, v0;
	v34 =	vadd.s32 $0x348, v0;
	v20 =	vld.idx.msk [tilespmem:v15+s3+$0x0], $0xffff;
	[tilespmem:s25+$0x200] =	vst v19  }
0xd8: {  	v24 =	vadd.s32 $0x230, v47;
	v43 =	vadd.s32 $0x38E, v0;
	v35 =	vadd.s32 $0x3D4, v0;
	v19 =	vld.idx.msk [tilespmem:v3+s3+$0x0], $0xffff;
	[tilespmem:s25+$0x280] =	vst v16  }
0xd9: {  	v51 =	vadd.s32 $0x276, v47;
	v44 =	vadd.s32 $0x41A, v0;
	v36 =	vadd.s32 $0x460, v0;
	v16 =	vld.idx.msk [tilespmem:v6+s3+$0x0], $0xffff;
	[tilespmem:s25+$0x300] =	vst v14  }
0xda: {  	v52 =	vadd.s32 $0x2BC, v47;
	v45 =	vadd.s32 $0x4A6, v0;
	v15 =	vadd.s32 $0x4EC, v0;
	v14 =	vld.idx.msk [tilespmem:v17+s3+$0x0], $0xffff;
	[tilespmem:s25+$0x380] =	vst v13  }
0xdb: {  	v53 =	vadd.s32 $0x302, v47;
	v12 =	vadd.s32 $0x578, v0;
	v17 =	vadd.s32 $0x532, v0;
	v13 =	vld.idx.msk [tilespmem:v18+s3+$0x0], $0xffff;
	[tilespmem:s25+$0x1000] =	vst v10  }
0xdc: {  	s26 =	sadd.s32 $0x2, s26;
	v3 =	vadd.s32 $0x604, v0;
	v18 =	vadd.s32 $0x5BE, v0;
	v10 =	vld.idx.msk [tilespmem:v23+s3+$0x0], $0xffff;
	v23 =	vadd.s32 $0x348, v47;
	[tilespmem:s25+$0x1080] =	vst v4  }
0xdd: {  	p0 =	slt.u32 s26, $0x1E;
	v6 =	vadd.s32 $0x64A, v0;
	v4 =	vld.idx.msk [tilespmem:v24+s3+$0x0], $0xffff;
	v24 =	vadd.s32 $0x38E, v47;
	[tilespmem:s25+$0x1100] =	vst v2  }
0xde: {  	v2 =	vld.idx.msk [tilespmem:v51+s3+$0x0], $0xffff;
	v51 =	vadd.s32 $0x3D4, v47;
	[tilespmem:s25+$0x1180] =	vst v5  }
0xdf: {  	v5 =	vld.idx.msk [tilespmem:v52+s3+$0x0], $0xffff;
	v52 =	vadd.s32 $0x41A, v47;
	[tilespmem:s25+$0x1200] =	vst v7  }
0xe0: {  	v7 =	vld.idx.msk [tilespmem:v53+s3+$0x0], $0xffff;
	v53 =	vadd.s32 $0x460, v47;
	[tilespmem:s25+$0x1280] =	vst v8  }
0xe1: {  	v8 =	vld.idx.msk [tilespmem:v23+s3+$0x0], $0xffff;
	v23 =	vadd.s32 $0x64A, v47;
	[tilespmem:s25+$0x1300] =	vst v9  }
0xe2: {  	v9 =	vld.idx.msk [tilespmem:v24+s3+$0x0], $0xffff;
	v24 =	vadd.s32 $0x4A6, v47;
	[tilespmem:s25+$0x1380] =	vst v11  }
0xe3: {  	v11 =	vld.idx.msk [tilespmem:v51+s3+$0x0], $0xffff;
	v51 =	vadd.s32 $0x4EC, v47;
	[tilespmem:s25+$0x2000] =	vst v21  }
0xe4: {  	v21 =	vld.idx.msk [tilespmem:v52+s3+$0x0], $0xffff;
	v52 =	vadd.s32 $0x532, v47;
	[tilespmem:s25+$0x2080] =	vst v25  }
0xe5: {  	v25 =	vld.idx.msk [tilespmem:v53+s3+$0x0], $0xffff;
	v53 =	vadd.s32 $0x578, v47;
	[tilespmem:s25+$0x2100] =	vst v26  }
0xe6: {  	v54 =	vadd.s32 $0x5BE, v47;
	v23 =	vld.idx.msk [tilespmem:v23+s3+$0x0], $0xffff;
	[tilespmem:s25+$0x2180] =	vst v27  }
0xe7: {  	v47 =	vadd.s32 $0x604, v47;
	v55 =	vld.idx.msk [tilespmem:v24+s3+$0x0], $0xffff;
	[tilespmem:s25+$0x2200] =	vst v28  }
0xe8: {  	s23 =	sadd.s32 $0x100, s23;
	v24 =	vld.idx.msk [tilespmem:v51+s3+$0x0], $0xffff;
	[tilespmem:s25+$0x2280] =	vst v29  }
0xe9: {  	s24 =	sadd.s32 $0x20, s24;
	s29 =	sand.u32 $0xC00, s23;
	v26 =	vld.idx.msk [tilespmem:v52+s3+$0x0], $0xffff;
	[tilespmem:s25+$0x2300] =	vst v48  }
0xea: {  	s30 =	sadd.s32 $0xFFFFFFF0, s24;
	s31 =	sadd.s32 $0x5E90, s29;
	s29 =	sand.u32 $0x70, s24;
	v27 =	vld.idx.msk [tilespmem:v53+s3+$0x0], $0xffff;
	[tilespmem:s25+$0x2380] =	vst v49  }
0xeb: {  	s30 =	sand.u32 $0x60, s30;
	s29 =	sadd.s32 s29, s31;
	v28 =	vld.idx.msk [tilespmem:v54+s3+$0x0], $0xffff;
	[tilespmem:s25+$0x0] =	vst v50  }
0xec: {  	s25 =	sor.u32 s30, s31;
	v29 =	vld.idx.msk [tilespmem:v47+s3+$0x0], $0xffff;
	[tilespmem:s29+$0x2380] =	vst v23  }
0xed: {  	v23 =	vld.idx.msk [tilespmem:v46+s3+$0x0], $0xffff;
	[tilespmem:s29+$0x80] =	vst v22  }
0xee: {  	v22 =	vld.idx.msk [tilespmem:v37+s3+$0x0], $0xffff;
	[tilespmem:s29+$0x100] =	vst v20  }
0xef: {  	v20 =	vld.idx.msk [tilespmem:v39+s3+$0x0], $0xffff;
	[tilespmem:s29+$0x180] =	vst v19  }
0xf0: {  	v19 =	vld.idx.msk [tilespmem:v31+s3+$0x0], $0xffff;
	[tilespmem:s29+$0x200] =	vst v16  }
0xf1: {  	v16 =	vld.idx.msk [tilespmem:v38+s3+$0x0], $0xffff;
	[tilespmem:s29+$0x280] =	vst v14  }
0xf2: {  	v14 =	vld.idx.msk [tilespmem:v30+s3+$0x0], $0xffff;
	[tilespmem:s29+$0x300] =	vst v13  }
0xf3: {  	v13 =	vld.idx.msk [tilespmem:v40+s3+$0x0], $0xffff;
	[tilespmem:s29+$0x380] =	vst v10  }
0xf4: {  	v10 =	vld.idx.msk [tilespmem:v32+s3+$0x0], $0xffff;
	[tilespmem:s29+$0x1000] =	vst v4  }
0xf5: {  	v4 =	vld.idx.msk [tilespmem:v41+s3+$0x0], $0xffff;
	[tilespmem:s29+$0x1080] =	vst v2  }
0xf6: {  	v2 =	vld.idx.msk [tilespmem:v33+s3+$0x0], $0xffff;
	[tilespmem:s29+$0x1100] =	vst v5  }
0xf7: {  	v5 =	vld.idx.msk [tilespmem:v42+s3+$0x0], $0xffff;
	[tilespmem:s29+$0x1180] =	vst v7  }
0xf8: {  	v7 =	vld.idx.msk [tilespmem:v34+s3+$0x0], $0xffff;
	[tilespmem:s29+$0x1200] =	vst v8  }
.Ltmp1:
0xf9: {  	v8 =	vld.idx.msk [tilespmem:v43+s3+$0x0], $0xffff;
	[tilespmem:s29+$0x1280] =	vst v9;
	(pc) =	sbr.rel @p0 .LBB2_5-.Ltmp1, $4  }
0xfa: {  	v9 =	vld.idx.msk [tilespmem:v35+s3+$0x0], $0xffff;
	[tilespmem:s29+$0x1300] =	vst v11  }
0xfb: {  	v11 =	vld.idx.msk [tilespmem:v44+s3+$0x0], $0xffff;
	[tilespmem:s29+$0x1380] =	vst v21  }
0xfc: {  	v21 =	vld.idx.msk [tilespmem:v36+s3+$0x0], $0xffff;
	[tilespmem:s29+$0x2000] =	vst v25  }
0xfd: {  	s28 =	sadd.s32 $0x20, s28;
	v25 =	vld.idx.msk [tilespmem:v45+s3+$0x0], $0xffff;
	[tilespmem:s29+$0x2080] =	vst v55  }
0xfe: {  	_ =	sdelay $0x3  }
0xff: {  	v15 =	vld.idx.msk [tilespmem:v15+s3+$0x0], $0xffff;
	[tilespmem:s29+$0x2100] =	vst v24  }
0x100: {  	v17 =	vld.idx.msk [tilespmem:v17+s3+$0x0], $0xffff;
	[tilespmem:s29+$0x2180] =	vst v26  }
0x101: {  	v12 =	vld.idx.msk [tilespmem:v12+s3+$0x0], $0xffff;
	[tilespmem:s29+$0x2200] =	vst v27  }
0x102: {  	v18 =	vld.idx.msk [tilespmem:v18+s3+$0x0], $0xffff;
	[tilespmem:s29+$0x2280] =	vst v28  }
0x103: {  	v3 =	vld.idx.msk [tilespmem:v3+s3+$0x0], $0xffff;
	[tilespmem:s29+$0x2300] =	vst v29  }
0x104: {  	v6 =	vld.idx.msk [tilespmem:v6+s3+$0x0], $0xffff;
	[tilespmem:s29+$0x0] =	vst v1  }
0x105: {  	v0 =	vld.idx.msk [tilespmem:v0+s3+$0x0], $0xffff;
	[tilespmem:s25+$0x80] =	vst v23  }
0x106: {  	[tilespmem:s25+$0x100] =	vst v22  }
0x107: {  	[tilespmem:s25+$0x180] =	vst v20  }
0x108: {  	[tilespmem:s25+$0x200] =	vst v19  }
0x109: {  	[tilespmem:s25+$0x280] =	vst v16  }
0x10a: {  	[tilespmem:s25+$0x300] =	vst v14  }
0x10b: {  	[tilespmem:s25+$0x380] =	vst v13  }
0x10c: {  	[tilespmem:s25+$0x1000] =	vst v10  }
0x10d: {  	[tilespmem:s25+$0x1080] =	vst v4  }
0x10e: {  	[tilespmem:s25+$0x1100] =	vst v2  }
0x10f: {  	[tilespmem:s25+$0x1180] =	vst v5  }
0x110: {  	[tilespmem:s25+$0x1200] =	vst v7  }
0x111: {  	[tilespmem:s25+$0x1280] =	vst v8  }
0x112: {  	[tilespmem:s25+$0x1300] =	vst v9  }
0x113: {  	[tilespmem:s25+$0x1380] =	vst v11  }
0x114: {  	[tilespmem:s25+$0x2000] =	vst v21  }
0x115: {  	[tilespmem:s25+$0x2080] =	vst v25  }
0x116: {  	[tilespmem:s25+$0x2100] =	vst v15  }
0x117: {  	s21 =	sadd.s32 $0x1, s21;
	[tilespmem:s25+$0x2180] =	vst v17  }
0x118: {  	s22 =	smul.u32 $0x60000, s22;
	p0 =	sne.s32 s21, $0xA;
	[tilespmem:s25+$0x2200] =	vst v12  }
.Ltmp2:
0x119: {  	[tilespmem:s25+$0x2280] =	vst v18;
	(pc) =	sbr.rel @p0 .LBB2_2-.Ltmp2, $4  }
0x11a: {  	s22 =	sor.u32 s6, s22;
	[tilespmem:s25+$0x2300] =	vst v3  }
0x11b: {  	s22 =	sshrl.u32 s22, $0x3;
	[tilespmem:s25+$0x2380] =	vst v6  }
0x11c: {  	s19 =	sadd.s32 $0x400, s19;
	s20 =	sadd.s32 $0x400, s20;
	s22 =	sadd.s32 s2, s22;
	[tilespmem:s25+$0x0] =	vst v0  }
0x11d: {  	[hbm4b:s22+s12] =	stream.strided.scatter [tilespmem:s15], [sflag:$0x2], $0x3000, s13, s12, $0x38;
	[tilespmem:$0x8E90] =	vst v63  }
0x11e: {  	s18 =	sadd.s32 $0x1, s18  }
0x11f: {  	_ =	swait.ge [sflag:s16], $0x3000;
	p0 =	sne.s32 s18, s7  }
.Ltmp3:
0x120: {  	[sflag:s16] =	ssyncset.done $0x0;
	(pc) =	sbr.rel @p0 .LBB2_1-.Ltmp3, $4  }
0x121: {  	[sflag:s16] =	ssyncadd.s32 $0xFFFFD000  }
0x122: {  	_ =	swait.ge [sflag:s17], $0x3000  }
0x123: {  	[sflag:s17] =	ssyncset.done $0x0  }
0x124: {  	[sflag:s17] =	ssyncadd.s32 $0xFFFFD000  }
0x125: {  	_ =	sfence.sel $0x180000  }
0x126: {  	[bflag:$0x0] =	sbarrier.arrive $0xFFFF  }
0x127: {  	p0 =	sne.s32 s1, $0x0;
	_ =	strace $0x90000047  }
0x128: {  	s0 =	sadd.s32 @!p0 $0x100000, s0;
	[bflag:$0x2] =	sbarrier.arrive $0xFFFF  }
0x129: {  	[sflag:s0] =	ssyncadd.tile.s32 @!p0 $0x1;
	_ =	shalt  }
.Lfunc_end2:
_tile_overlayer_lowered:
.L_overlay_start_2:
0x12a: {  	(tag) =	ssettag $0x2  }
0x12b: {  	s0 =	rddreg [dreg:$0x0];
	s2 =	stileid.u32  }
0x12c: {  	s1 =	rddreg [dreg:$0x1];
	p0 =	sne.s32 s2, $0x0  }
0x12d: {  	s3 =	rddreg [dreg:$0x2];
	[bflag:$0x3] =	sbarrier.arrive $0xFFFF;
	s2 =	simm.s32 @!p0 $0x1C03  }
0x12e: {  	[timem:s3], [sflag:s2] =	dma.local @!p0 [hbm:s0], s1  }
0x12f: {  	s0 =	simm.s32 @!p0 $0x3  }
0x130: {  	_ =	swait.ge @!p0 [sflag:s0], s1  }
0x131: {  	s1 =	ssub.s32 @!p0 $0x0, s1;
	[sflag:s0] =	ssyncset.done @!p0 $0x0  }
0x132: {  	[sflag:s0] =	ssyncadd.s32 @!p0 s1  }
0x133: {  	[bflag:$0x3] =	sbarrier.arrive $0xFFFF  }
0x134: {  	_ =	shalt  }

</sc_bundles>
